<compile_context>
chip_gen: v7x
topology: tpu7x:2x2x1
jax: 0.10.2.dev20260603
libtpu: 0.0.44.dev20260713+nightly
codegen_flags: <defaults>
</compile_context>

<pallas_src>
import functools

import jax
import jax.numpy as jnp
from jax import lax
from jax.experimental import pallas as pl
from jax.experimental.pallas import tpu as pltpu
from jax.experimental.pallas import tpu_sc as plsc

_PATTERNS = [
    [(i * 7) % 100, (i * 7 + 13) % 100, (i * 7 + 29) % 100, (i * 7 + 53) % 100]
    for i in range(26)
]
_B = 16384
_F = 100
_R = _B // 4


@functools.lru_cache(maxsize=None)
def _build_sc_match():
    info = plsc.get_sparse_core_info()
    nc, ns, lanes = info.num_cores, info.num_subcores, info.num_lanes
    nw = nc * ns
    wrows_per_w = _R // nw
    chunks = wrows_per_w // lanes
    rows_per_w = wrows_per_w * 4
    pitch = wrows_per_w + 1
    tsize = _F * pitch
    mesh = plsc.VectorSubcoreMesh(core_axis_name="c", subcore_axis_name="s")

    @functools.partial(
        pl.kernel,
        mesh=mesh,
        out_type=jax.ShapeDtypeStruct((_B,), jnp.int32),
        scratch_types=[
            pltpu.VMEM((wrows_per_w, _F), jnp.int32),
            pltpu.VMEM((rows_per_w,), jnp.int32),
            pltpu.VMEM((tsize,), jnp.int32),
        ],
        compiler_params=pltpu.CompilerParams(needs_layout_passes=False),
    )
    def sc_match(in_hbm, out_hbm, wbuf, obuf, tbuf):
        wid = lax.axis_index("s") * nc + lax.axis_index("c")
        wrow0 = wid * wrows_per_w
        words_hbm = in_hbm.bitcast(jnp.int32)
        pltpu.sync_copy(words_hbm.at[pl.ds(wrow0, wrows_per_w), :], wbuf)

        lane = lax.iota(jnp.int32, lanes)
        lane_p = lane * pitch
        lane4 = lane * 4
        cols = sorted({col for pat in _PATTERNS for col in pat})
        starts = list(range(0, _F - lanes, lanes)) + [_F - lanes]

        def tbody(c, carry):
            for l in range(lanes):
                r = c * lanes + l
                for g0 in starts:
                    v = wbuf[r, pl.ds(g0, lanes)]
                    idx = lane_p + (g0 * pitch + r)
                    plsc.store_scatter(tbuf, [idx], v)
            return carry

        lax.fori_loop(0, chunks, tbody, None)

        def ebody(c, carry):
            vals = {
                col: tbuf[pl.ds(col * pitch + c * lanes, lanes)]
                for col in cols
            }
            acc = None
            for p0, p1, p2, p3 in _PATTERNS:
                m = vals[p0] & vals[p1] & vals[p2] & vals[p3]
                acc = m if acc is None else (acc | m)
            for k in range(4):
                rk = lax.shift_right_logical(acc, 8 * k) & 1
                plsc.store_scatter(obuf, [lane4 + (c * lanes * 4 + k)], rk)
            return carry

        lax.fori_loop(0, chunks, ebody, None)
        pltpu.sync_copy(obuf, out_hbm.at[pl.ds(wid * rows_per_w, rows_per_w)])

    return sc_match


def kernel(inputs):
    out = _build_sc_match()(inputs.astype(jnp.uint8))
    return out != 0

# --- scband reference (transcript-rebuilt; emitter-appended) ---
"""Pipeline reference for scband-match-layer-70205535421126 (READ-ONLY COPY).

The authoritative reference and input builder live on the scoring server;
editing this copy changes nothing except your own understanding.
"""

import jax, jax.numpy as jnp
import numpy as np

PATTERNS = [[(i * 7) % 100, (i * 7 + 13) % 100, (i * 7 + 29) % 100, (i * 7 + 53) % 100] for i in range(26)]


def setup_inputs(seed: int = 0) -> dict:
    key = jax.random.key(seed)
    inputs = jax.random.randint(key, (16384, 100), 0, 2) > 0  # bool [B, F]
    return {"inputs": inputs}


def reference(inputs):
    # For each pattern: gather the selected feature columns and AND them per row.
    matches = []
    for pi in PATTERNS:
        idx = jnp.array(pi, dtype=jnp.int32)
        selected = jnp.take(inputs, idx, axis=1)          # [B, len(pi)]
        matches.append(jnp.all(selected, axis=1))          # [B]
    m = jnp.stack(matches, axis=0)                         # [P, B] (TensorArray.stack)
    # transpose to [B, P] then reduce_any per row -> [B]
    matchany = jnp.any(jnp.transpose(m, (1, 0)), axis=1)
    return matchany

if __name__ == "__main__":
    import jax
    _d = setup_inputs()
    print(jax.jit(kernel)(*tuple(_d.values())))

</pallas_src>

<mosaic_0001>
#map = affine_map<(d0, d1) -> (0, 0)>
#map1 = affine_map<(d0, d1) -> (0)>
module attributes {stable_mosaic.version = 14 : i64} {
  func.func @sc_match(%arg0: i32, %arg1: i32, %arg2: memref<16384x100xi8, #tpu.memory_space<hbm>>, %arg3: memref<16384xi32, #tpu.memory_space<hbm>>, %arg4: memref<128x100xi32, #tpu.memory_space<vmem>>, %arg5: memref<512xi32, #tpu.memory_space<vmem>>, %arg6: memref<12900xi32, #tpu.memory_space<vmem>>) attributes {dimension_semantics = [#tpu.dimension_semantics<core_parallel>, #tpu.dimension_semantics<subcore_parallel>], iteration_bounds = array<i64: 2, 16>, scalar_prefetch = 0 : i64, scratch_operands = 3 : i64, tpu.core_type = #tpu.core_type<sc_vector_subcore>, window_params = [{transform_indices = #map}, {transform_indices = #map1}]} {
    %mul3A = arith.constant 2 : i32
    %mul3A_0 = arith.muli %arg1, %mul3A : i32
    %add3A = arith.addi %mul3A_0, %arg0 : i32
    %mul3A_1 = arith.constant 128 : i32
    %mul3A_2 = arith.muli %add3A, %mul3A_1 : i32
    "tpu.region"() ({
      %run_scoped3A = tpu.sem_alloc : memref<!tpu.dma_semaphore, #tpu.memory_space<semaphore_mem>>
      %dma_start3A = tpu.memref_bitcast %arg2 : memref<16384x100xi8, #tpu.memory_space<hbm>> -> memref<4096x100xi32, #tpu.memory_space<hbm>>
      %dma_start3A_20 = arith.constant 0 : i32
      %dma_start3A_21 = tpu.memref_slice %dma_start3A[%mul3A_2, %dma_start3A_20] : memref<4096x100xi32, #tpu.memory_space<hbm>> -> memref<128x100xi32, #tpu.memory_space<hbm>>
      %dma_start3A_22 = tpu.memref_bitcast %arg2 : memref<16384x100xi8, #tpu.memory_space<hbm>> -> memref<4096x100xi32, #tpu.memory_space<hbm>>
      %dma_start3A_23 = arith.constant 0 : i32
      %dma_start3A_24 = tpu.memref_slice %dma_start3A_22[%mul3A_2, %dma_start3A_23] : memref<4096x100xi32, #tpu.memory_space<hbm>> -> memref<128x100xi32, #tpu.memory_space<hbm>>
      tpu.enqueue_dma source(%dma_start3A_24 : memref<128x100xi32, #tpu.memory_space<hbm>>) target(%arg4 : memref<128x100xi32, #tpu.memory_space<vmem>>) target_semaphore(%run_scoped3A : memref<!tpu.dma_semaphore, #tpu.memory_space<semaphore_mem>>)
      %dma_wait3A = tpu.memref_bitcast %arg2 : memref<16384x100xi8, #tpu.memory_space<hbm>> -> memref<4096x100xi32, #tpu.memory_space<hbm>>
      %dma_wait3A_25 = arith.constant 0 : i32
      %dma_wait3A_26 = tpu.memref_slice %dma_wait3A[%mul3A_2, %dma_wait3A_25] : memref<4096x100xi32, #tpu.memory_space<hbm>> -> memref<128x100xi32, #tpu.memory_space<hbm>>
      %dma_wait3A_27 = tpu.memref_bitcast %arg2 : memref<16384x100xi8, #tpu.memory_space<hbm>> -> memref<4096x100xi32, #tpu.memory_space<hbm>>
      %dma_wait3A_28 = arith.constant 0 : i32
      %dma_wait3A_29 = tpu.memref_slice %dma_wait3A_27[%mul3A_2, %dma_wait3A_28] : memref<4096x100xi32, #tpu.memory_space<hbm>> -> memref<128x100xi32, #tpu.memory_space<hbm>>
      tpu.wait_dma2 semaphore(%run_scoped3A : memref<!tpu.dma_semaphore, #tpu.memory_space<semaphore_mem>>) src(%dma_wait3A_29 : memref<128x100xi32, #tpu.memory_space<hbm>>) dst(%arg4 : memref<128x100xi32, #tpu.memory_space<vmem>>)
      tpu.yield
    }) : () -> ()
    %iota3A = tpu.iota {dimensions = array<i32: 0>} : vector<16xi32>
    %mul3A_3 = arith.constant 129 : i32
    %mul3A_4 = vector.broadcast %mul3A_3 : i32 to vector<16xi32>
    %mul3A_5 = arith.muli %iota3A, %mul3A_4 : vector<16xi32>
    %mul3A_6 = arith.constant 4 : i32
    %mul3A_7 = vector.broadcast %mul3A_6 : i32 to vector<16xi32>
    %mul3A_8 = arith.muli %iota3A, %mul3A_7 : vector<16xi32>
    %scan3A = arith.constant 0 : i32
    %scan3A_9 = arith.constant 8 : i32
    %scan3A_10 = arith.addi %scan3A, %scan3A_9 : i32
    %scan3A_11 = arith.constant 1 : i32
    scf.for %scan3A_20 = %scan3A to %scan3A_10 step %scan3A_11  : i32 {
      %mul3A_21 = arith.constant 16 : i32
      %mul3A_22 = arith.muli %scan3A_20, %mul3A_21 : i32
      %add3A_23 = arith.constant 0 : i32
      %add3A_24 = arith.addi %mul3A_22, %add3A_23 : i32
      %get3A = arith.index_cast %add3A_24 : i32 to index
      %get3A_25 = arith.constant 0 : index
      %get3A_26 = tpu.vector_load %arg4[%get3A, %get3A_25] {strides = array<i32>} : memref<128x100xi32, #tpu.memory_space<vmem>>, vector<16xi32>,
      %add3A_27 = arith.constant 0 : i32
      %add3A_28 = arith.addi %add3A_27, %add3A_24 : i32
      %add3A_29 = vector.broadcast %add3A_28 : i32 to vector<16xi32>
      %add3A_30 = arith.addi %mul3A_5, %add3A_29 : vector<16xi32>
      tpu.vector_store_idx %arg6[%add3A_30], %get3A_26 : memref<12900xi32, #tpu.memory_space<vmem>>[vector<16xi32>], vector<16xi32>,
      %get3A_31 = arith.index_cast %add3A_24 : i32 to index
      %get3A_32 = arith.constant 16 : index
      %get3A_33 = tpu.vector_load %arg4[%get3A_31, %get3A_32] {strides = array<i32>} : memref<128x100xi32, #tpu.memory_space<vmem>>, vector<16xi32>,
      %add3A_34 = arith.constant 2064 : i32
      %add3A_35 = arith.addi %add3A_34, %add3A_24 : i32
      %add3A_36 = vector.broadcast %add3A_35 : i32 to vector<16xi32>
      %add3A_37 = arith.addi %mul3A_5, %add3A_36 : vector<16xi32>
      tpu.vector_store_idx %arg6[%add3A_37], %get3A_33 : memref<12900xi32, #tpu.memory_space<vmem>>[vector<16xi32>], vector<16xi32>,
      %get3A_38 = arith.index_cast %add3A_24 : i32 to index
      %get3A_39 = arith.constant 32 : index
      %get3A_40 = tpu.vector_load %arg4[%get3A_38, %get3A_39] {strides = array<i32>} : memref<128x100xi32, #tpu.memory_space<vmem>>, vector<16xi32>,
      %add3A_41 = arith.constant 4128 : i32
      %add3A_42 = arith.addi %add3A_41, %add3A_24 : i32
      %add3A_43 = vector.broadcast %add3A_42 : i32 to vector<16xi32>
      %add3A_44 = arith.addi %mul3A_5, %add3A_43 : vector<16xi32>
      tpu.vector_store_idx %arg6[%add3A_44], %get3A_40 : memref<12900xi32, #tpu.memory_space<vmem>>[vector<16xi32>], vector<16xi32>,
      %get3A_45 = arith.index_cast %add3A_24 : i32 to index
      %get3A_46 = arith.constant 48 : index
      %get3A_47 = tpu.vector_load %arg4[%get3A_45, %get3A_46] {strides = array<i32>} : memref<128x100xi32, #tpu.memory_space<vmem>>, vector<16xi32>,
      %add3A_48 = arith.constant 6192 : i32
      %add3A_49 = arith.addi %add3A_48, %add3A_24 : i32
      %add3A_50 = vector.broadcast %add3A_49 : i32 to vector<16xi32>
      %add3A_51 = arith.addi %mul3A_5, %add3A_50 : vector<16xi32>
      tpu.vector_store_idx %arg6[%add3A_51], %get3A_47 : memref<12900xi32, #tpu.memory_space<vmem>>[vector<16xi32>], vector<16xi32>,
      %get3A_52 = arith.index_cast %add3A_24 : i32 to index
      %get3A_53 = arith.constant 64 : index
      %get3A_54 = tpu.vector_load %arg4[%get3A_52, %get3A_53] {strides = array<i32>} : memref<128x100xi32, #tpu.memory_space<vmem>>, vector<16xi32>,
      %add3A_55 = arith.constant 8256 : i32
      %add3A_56 = arith.addi %add3A_55, %add3A_24 : i32
      %add3A_57 = vector.broadcast %add3A_56 : i32 to vector<16xi32>
      %add3A_58 = arith.addi %mul3A_5, %add3A_57 : vector<16xi32>
      tpu.vector_store_idx %arg6[%add3A_58], %get3A_54 : memref<12900xi32, #tpu.memory_space<vmem>>[vector<16xi32>], vector<16xi32>,
      %get3A_59 = arith.index_cast %add3A_24 : i32 to index
      %get3A_60 = arith.constant 80 : index
      %get3A_61 = tpu.vector_load %arg4[%get3A_59, %get3A_60] {strides = array<i32>} : memref<128x100xi32, #tpu.memory_space<vmem>>, vector<16xi32>,
      %add3A_62 = arith.constant 10320 : i32
      %add3A_63 = arith.addi %add3A_62, %add3A_24 : i32
      %add3A_64 = vector.broadcast %add3A_63 : i32 to vector<16xi32>
      %add3A_65 = arith.addi %mul3A_5, %add3A_64 : vector<16xi32>
      tpu.vector_store_idx %arg6[%add3A_65], %get3A_61 : memref<12900xi32, #tpu.memory_space<vmem>>[vector<16xi32>], vector<16xi32>,
      %get3A_66 = arith.index_cast %add3A_24 : i32 to index
      %get3A_67 = arith.constant 84 : index
      %get3A_68 = tpu.vector_load %arg4[%get3A_66, %get3A_67] {strides = array<i32>} : memref<128x100xi32, #tpu.memory_space<vmem>>, vector<16xi32>,
      %add3A_69 = arith.constant 10836 : i32
      %add3A_70 = arith.addi %add3A_69, %add3A_24 : i32
      %add3A_71 = vector.broadcast %add3A_70 : i32 to vector<16xi32>
      %add3A_72 = arith.addi %mul3A_5, %add3A_71 : vector<16xi32>
      tpu.vector_store_idx %arg6[%add3A_72], %get3A_68 : memref<12900xi32, #tpu.memory_space<vmem>>[vector<16xi32>], vector<16xi32>,
      %mul3A_73 = arith.constant 16 : i32
      %mul3A_74 = arith.muli %scan3A_20, %mul3A_73 : i32
      %add3A_75 = arith.constant 1 : i32
      %add3A_76 = arith.addi %mul3A_74, %add3A_75 : i32
      %get3A_77 = arith.index_cast %add3A_76 : i32 to index
      %get3A_78 = arith.constant 0 : index
      %get3A_79 = tpu.vector_load %arg4[%get3A_77, %get3A_78] {strides = array<i32>} : memref<128x100xi32, #tpu.memory_space<vmem>>, vector<16xi32>,
      %add3A_80 = arith.constant 0 : i32
      %add3A_81 = arith.addi %add3A_80, %add3A_76 : i32
      %add3A_82 = vector.broadcast %add3A_81 : i32 to vector<16xi32>
      %add3A_83 = arith.addi %mul3A_5, %add3A_82 : vector<16xi32>
      tpu.vector_store_idx %arg6[%add3A_83], %get3A_79 : memref<12900xi32, #tpu.memory_space<vmem>>[vector<16xi32>], vector<16xi32>,
      %get3A_84 = arith.index_cast %add3A_76 : i32 to index
      %get3A_85 = arith.constant 16 : index
      %get3A_86 = tpu.vector_load %arg4[%get3A_84, %get3A_85] {strides = array<i32>} : memref<128x100xi32, #tpu.memory_space<vmem>>, vector<16xi32>,
      %add3A_87 = arith.constant 2064 : i32
      %add3A_88 = arith.addi %add3A_87, %add3A_76 : i32
      %add3A_89 = vector.broadcast %add3A_88 : i32 to vector<16xi32>
      %add3A_90 = arith.addi %mul3A_5, %add3A_89 : vector<16xi32>
      tpu.vector_store_idx %arg6[%add3A_90], %get3A_86 : memref<12900xi32, #tpu.memory_space<vmem>>[vector<16xi32>], vector<16xi32>,
      %get3A_91 = arith.index_cast %add3A_76 : i32 to index
      %get3A_92 = arith.constant 32 : index
      %get3A_93 = tpu.vector_load %arg4[%get3A_91, %get3A_92] {strides = array<i32>} : memref<128x100xi32, #tpu.memory_space<vmem>>, vector<16xi32>,
      %add3A_94 = arith.constant 4128 : i32
      %add3A_95 = arith.addi %add3A_94, %add3A_76 : i32
      %add3A_96 = vector.broadcast %add3A_95 : i32 to vector<16xi32>
      %add3A_97 = arith.addi %mul3A_5, %add3A_96 : vector<16xi32>
      tpu.vector_store_idx %arg6[%add3A_97], %get3A_93 : memref<12900xi32, #tpu.memory_space<vmem>>[vector<16xi32>], vector<16xi32>,
      %get3A_98 = arith.index_cast %add3A_76 : i32 to index
      %get3A_99 = arith.constant 48 : index
      %get3A_100 = tpu.vector_load %arg4[%get3A_98, %get3A_99] {strides = array<i32>} : memref<128x100xi32, #tpu.memory_space<vmem>>, vector<16xi32>,
      %add3A_101 = arith.constant 6192 : i32
      %add3A_102 = arith.addi %add3A_101, %add3A_76 : i32
      %add3A_103 = vector.broadcast %add3A_102 : i32 to vector<16xi32>
      %add3A_104 = arith.addi %mul3A_5, %add3A_103 : vector<16xi32>
      tpu.vector_store_idx %arg6[%add3A_104], %get3A_100 : memref<12900xi32, #tpu.memory_space<vmem>>[vector<16xi32>], vector<16xi32>,
      %get3A_105 = arith.index_cast %add3A_76 : i32 to index
      %get3A_106 = arith.constant 64 : index
      %get3A_107 = tpu.vector_load %arg4[%get3A_105, %get3A_106] {strides = array<i32>} : memref<128x100xi32, #tpu.memory_space<vmem>>, vector<16xi32>,
      %add3A_108 = arith.constant 8256 : i32
      %add3A_109 = arith.addi %add3A_108, %add3A_76 : i32
      %add3A_110 = vector.broadcast %add3A_109 : i32 to vector<16xi32>
      %add3A_111 = arith.addi %mul3A_5, %add3A_110 : vector<16xi32>
      tpu.vector_store_idx %arg6[%add3A_111], %get3A_107 : memref<12900xi32, #tpu.memory_space<vmem>>[vector<16xi32>], vector<16xi32>,
      %get3A_112 = arith.index_cast %add3A_76 : i32 to index
      %get3A_113 = arith.constant 80 : index
      %get3A_114 = tpu.vector_load %arg4[%get3A_112, %get3A_113] {strides = array<i32>} : memref<128x100xi32, #tpu.memory_space<vmem>>, vector<16xi32>,
      %add3A_115 = arith.constant 10320 : i32
      %add3A_116 = arith.addi %add3A_115, %add3A_76 : i32
      %add3A_117 = vector.broadcast %add3A_116 : i32 to vector<16xi32>
      %add3A_118 = arith.addi %mul3A_5, %add3A_117 : vector<16xi32>
      tpu.vector_store_idx %arg6[%add3A_118], %get3A_114 : memref<12900xi32, #tpu.memory_space<vmem>>[vector<16xi32>], vector<16xi32>,
      %get3A_119 = arith.index_cast %add3A_76 : i32 to index
      %get3A_120 = arith.constant 84 : index
      %get3A_121 = tpu.vector_load %arg4[%get3A_119, %get3A_120] {strides = array<i32>} : memref<128x100xi32, #tpu.memory_space<vmem>>, vector<16xi32>,
      %add3A_122 = arith.constant 10836 : i32
      %add3A_123 = arith.addi %add3A_122, %add3A_76 : i32
      %add3A_124 = vector.broadcast %add3A_123 : i32 to vector<16xi32>
      %add3A_125 = arith.addi %mul3A_5, %add3A_124 : vector<16xi32>
      tpu.vector_store_idx %arg6[%add3A_125], %get3A_121 : memref<12900xi32, #tpu.memory_space<vmem>>[vector<16xi32>], vector<16xi32>,
      %mul3A_126 = arith.constant 16 : i32
      %mul3A_127 = arith.muli %scan3A_20, %mul3A_126 : i32
      %add3A_128 = arith.constant 2 : i32
      %add3A_129 = arith.addi %mul3A_127, %add3A_128 : i32
      %get3A_130 = arith.index_cast %add3A_129 : i32 to index
      %get3A_131 = arith.constant 0 : index
      %get3A_132 = tpu.vector_load %arg4[%get3A_130, %get3A_131] {strides = array<i32>} : memref<128x100xi32, #tpu.memory_space<vmem>>, vector<16xi32>,
      %add3A_133 = arith.constant 0 : i32
      %add3A_134 = arith.addi %add3A_133, %add3A_129 : i32
      %add3A_135 = vector.broadcast %add3A_134 : i32 to vector<16xi32>
      %add3A_136 = arith.addi %mul3A_5, %add3A_135 : vector<16xi32>
      tpu.vector_store_idx %arg6[%add3A_136], %get3A_132 : memref<12900xi32, #tpu.memory_space<vmem>>[vector<16xi32>], vector<16xi32>,
      %get3A_137 = arith.index_cast %add3A_129 : i32 to index
      %get3A_138 = arith.constant 16 : index
      %get3A_139 = tpu.vector_load %arg4[%get3A_137, %get3A_138] {strides = array<i32>} : memref<128x100xi32, #tpu.memory_space<vmem>>, vector<16xi32>,
      %add3A_140 = arith.constant 2064 : i32
      %add3A_141 = arith.addi %add3A_140, %add3A_129 : i32
      %add3A_142 = vector.broadcast %add3A_141 : i32 to vector<16xi32>
      %add3A_143 = arith.addi %mul3A_5, %add3A_142 : vector<16xi32>
      tpu.vector_store_idx %arg6[%add3A_143], %get3A_139 : memref<12900xi32, #tpu.memory_space<vmem>>[vector<16xi32>], vector<16xi32>,
      %get3A_144 = arith.index_cast %add3A_129 : i32 to index
      %get3A_145 = arith.constant 32 : index
      %get3A_146 = tpu.vector_load %arg4[%get3A_144, %get3A_145] {strides = array<i32>} : memref<128x100xi32, #tpu.memory_space<vmem>>, vector<16xi32>,
      %add3A_147 = arith.constant 4128 : i32
      %add3A_148 = arith.addi %add3A_147, %add3A_129 : i32
      %add3A_149 = vector.broadcast %add3A_148 : i32 to vector<16xi32>
      %add3A_150 = arith.addi %mul3A_5, %add3A_149 : vector<16xi32>
      tpu.vector_store_idx %arg6[%add3A_150], %get3A_146 : memref<12900xi32, #tpu.memory_space<vmem>>[vector<16xi32>], vector<16xi32>,
      %get3A_151 = arith.index_cast %add3A_129 : i32 to index
      %get3A_152 = arith.constant 48 : index
      %get3A_153 = tpu.vector_load %arg4[%get3A_151, %get3A_152] {strides = array<i32>} : memref<128x100xi32, #tpu.memory_space<vmem>>, vector<16xi32>,
      %add3A_154 = arith.constant 6192 : i32
      %add3A_155 = arith.addi %add3A_154, %add3A_129 : i32
      %add3A_156 = vector.broadcast %add3A_155 : i32 to vector<16xi32>
      %add3A_157 = arith.addi %mul3A_5, %add3A_156 : vector<16xi32>
      tpu.vector_store_idx %arg6[%add3A_157], %get3A_153 : memref<12900xi32, #tpu.memory_space<vmem>>[vector<16xi32>], vector<16xi32>,
      %get3A_158 = arith.index_cast %add3A_129 : i32 to index
      %get3A_159 = arith.constant 64 : index
      %get3A_160 = tpu.vector_load %arg4[%get3A_158, %get3A_159] {strides = array<i32>} : memref<128x100xi32, #tpu.memory_space<vmem>>, vector<16xi32>,
      %add3A_161 = arith.constant 8256 : i32
      %add3A_162 = arith.addi %add3A_161, %add3A_129 : i32
      %add3A_163 = vector.broadcast %add3A_162 : i32 to vector<16xi32>
      %add3A_164 = arith.addi %mul3A_5, %add3A_163 : vector<16xi32>
      tpu.vector_store_idx %arg6[%add3A_164], %get3A_160 : memref<12900xi32, #tpu.memory_space<vmem>>[vector<16xi32>], vector<16xi32>,
      %get3A_165 = arith.index_cast %add3A_129 : i32 to index
      %get3A_166 = arith.constant 80 : index
      %get3A_167 = tpu.vector_load %arg4[%get3A_165, %get3A_166] {strides = array<i32>} : memref<128x100xi32, #tpu.memory_space<vmem>>, vector<16xi32>,
      %add3A_168 = arith.constant 10320 : i32
      %add3A_169 = arith.addi %add3A_168, %add3A_129 : i32
      %add3A_170 = vector.broadcast %add3A_169 : i32 to vector<16xi32>
      %add3A_171 = arith.addi %mul3A_5, %add3A_170 : vector<16xi32>
      tpu.vector_store_idx %arg6[%add3A_171], %get3A_167 : memref<12900xi32, #tpu.memory_space<vmem>>[vector<16xi32>], vector<16xi32>,
      %get3A_172 = arith.index_cast %add3A_129 : i32 to index
      %get3A_173 = arith.constant 84 : index
      %get3A_174 = tpu.vector_load %arg4[%get3A_172, %get3A_173] {strides = array<i32>} : memref<128x100xi32, #tpu.memory_space<vmem>>, vector<16xi32>,
      %add3A_175 = arith.constant 10836 : i32
      %add3A_176 = arith.addi %add3A_175, %add3A_129 : i32
      %add3A_177 = vector.broadcast %add3A_176 : i32 to vector<16xi32>
      %add3A_178 = arith.addi %mul3A_5, %add3A_177 : vector<16xi32>
      tpu.vector_store_idx %arg6[%add3A_178], %get3A_174 : memref<12900xi32, #tpu.memory_space<vmem>>[vector<16xi32>], vector<16xi32>,
      %mul3A_179 = arith.constant 16 : i32
      %mul3A_180 = arith.muli %scan3A_20, %mul3A_179 : i32
      %add3A_181 = arith.constant 3 : i32
      %add3A_182 = arith.addi %mul3A_180, %add3A_181 : i32
      %get3A_183 = arith.index_cast %add3A_182 : i32 to index
      %get3A_184 = arith.constant 0 : index
      %get3A_185 = tpu.vector_load %arg4[%get3A_183, %get3A_184] {strides = array<i32>} : memref<128x100xi32, #tpu.memory_space<vmem>>, vector<16xi32>,
      %add3A_186 = arith.constant 0 : i32
      %add3A_187 = arith.addi %add3A_186, %add3A_182 : i32
      %add3A_188 = vector.broadcast %add3A_187 : i32 to vector<16xi32>
      %add3A_189 = arith.addi %mul3A_5, %add3A_188 : vector<16xi32>
      tpu.vector_store_idx %arg6[%add3A_189], %get3A_185 : memref<12900xi32, #tpu.memory_space<vmem>>[vector<16xi32>], vector<16xi32>,
      %get3A_190 = arith.index_cast %add3A_182 : i32 to index
      %get3A_191 = arith.constant 16 : index
      %get3A_192 = tpu.vector_load %arg4[%get3A_190, %get3A_191] {strides = array<i32>} : memref<128x100xi32, #tpu.memory_space<vmem>>, vector<16xi32>,
      %add3A_193 = arith.constant 2064 : i32
      %add3A_194 = arith.addi %add3A_193, %add3A_182 : i32
      %add3A_195 = vector.broadcast %add3A_194 : i32 to vector<16xi32>
      %add3A_196 = arith.addi %mul3A_5, %add3A_195 : vector<16xi32>
      tpu.vector_store_idx %arg6[%add3A_196], %get3A_192 : memref<12900xi32, #tpu.memory_space<vmem>>[vector<16xi32>], vector<16xi32>,
      %get3A_197 = arith.index_cast %add3A_182 : i32 to index
      %get3A_198 = arith.constant 32 : index
      %get3A_199 = tpu.vector_load %arg4[%get3A_197, %get3A_198] {strides = array<i32>} : memref<128x100xi32, #tpu.memory_space<vmem>>, vector<16xi32>,
      %add3A_200 = arith.constant 4128 : i32
      %add3A_201 = arith.addi %add3A_200, %add3A_182 : i32
      %add3A_202 = vector.broadcast %add3A_201 : i32 to vector<16xi32>
      %add3A_203 = arith.addi %mul3A_5, %add3A_202 : vector<16xi32>
      tpu.vector_store_idx %arg6[%add3A_203], %get3A_199 : memref<12900xi32, #tpu.memory_space<vmem>>[vector<16xi32>], vector<16xi32>,
      %get3A_204 = arith.index_cast %add3A_182 : i32 to index
      %get3A_205 = arith.constant 48 : index
      %get3A_206 = tpu.vector_load %arg4[%get3A_204, %get3A_205] {strides = array<i32>} : memref<128x100xi32, #tpu.memory_space<vmem>>, vector<16xi32>,
      %add3A_207 = arith.constant 6192 : i32
      %add3A_208 = arith.addi %add3A_207, %add3A_182 : i32
      %add3A_209 = vector.broadcast %add3A_208 : i32 to vector<16xi32>
      %add3A_210 = arith.addi %mul3A_5, %add3A_209 : vector<16xi32>
      tpu.vector_store_idx %arg6[%add3A_210], %get3A_206 : memref<12900xi32, #tpu.memory_space<vmem>>[vector<16xi32>], vector<16xi32>,
      %get3A_211 = arith.index_cast %add3A_182 : i32 to index
      %get3A_212 = arith.constant 64 : index
      %get3A_213 = tpu.vector_load %arg4[%get3A_211, %get3A_212] {strides = array<i32>} : memref<128x100xi32, #tpu.memory_space<vmem>>, vector<16xi32>,
      %add3A_214 = arith.constant 8256 : i32
      %add3A_215 = arith.addi %add3A_214, %add3A_182 : i32
      %add3A_216 = vector.broadcast %add3A_215 : i32 to vector<16xi32>
      %add3A_217 = arith.addi %mul3A_5, %add3A_216 : vector<16xi32>
      tpu.vector_store_idx %arg6[%add3A_217], %get3A_213 : memref<12900xi32, #tpu.memory_space<vmem>>[vector<16xi32>], vector<16xi32>,
      %get3A_218 = arith.index_cast %add3A_182 : i32 to index
      %get3A_219 = arith.constant 80 : index
      %get3A_220 = tpu.vector_load %arg4[%get3A_218, %get3A_219] {strides = array<i32>} : memref<128x100xi32, #tpu.memory_space<vmem>>, vector<16xi32>,
      %add3A_221 = arith.constant 10320 : i32
      %add3A_222 = arith.addi %add3A_221, %add3A_182 : i32
      %add3A_223 = vector.broadcast %add3A_222 : i32 to vector<16xi32>
      %add3A_224 = arith.addi %mul3A_5, %add3A_223 : vector<16xi32>
      tpu.vector_store_idx %arg6[%add3A_224], %get3A_220 : memref<12900xi32, #tpu.memory_space<vmem>>[vector<16xi32>], vector<16xi32>,
      %get3A_225 = arith.index_cast %add3A_182 : i32 to index
      %get3A_226 = arith.constant 84 : index
      %get3A_227 = tpu.vector_load %arg4[%get3A_225, %get3A_226] {strides = array<i32>} : memref<128x100xi32, #tpu.memory_space<vmem>>, vector<16xi32>,
      %add3A_228 = arith.constant 10836 : i32
      %add3A_229 = arith.addi %add3A_228, %add3A_182 : i32
      %add3A_230 = vector.broadcast %add3A_229 : i32 to vector<16xi32>
      %add3A_231 = arith.addi %mul3A_5, %add3A_230 : vector<16xi32>
      tpu.vector_store_idx %arg6[%add3A_231], %get3A_227 : memref<12900xi32, #tpu.memory_space<vmem>>[vector<16xi32>], vector<16xi32>,
      %mul3A_232 = arith.constant 16 : i32
      %mul3A_233 = arith.muli %scan3A_20, %mul3A_232 : i32
      %add3A_234 = arith.constant 4 : i32
      %add3A_235 = arith.addi %mul3A_233, %add3A_234 : i32
      %get3A_236 = arith.index_cast %add3A_235 : i32 to index
      %get3A_237 = arith.constant 0 : index
      %get3A_238 = tpu.vector_load %arg4[%get3A_236, %get3A_237] {strides = array<i32>} : memref<128x100xi32, #tpu.memory_space<vmem>>, vector<16xi32>,
      %add3A_239 = arith.constant 0 : i32
      %add3A_240 = arith.addi %add3A_239, %add3A_235 : i32
      %add3A_241 = vector.broadcast %add3A_240 : i32 to vector<16xi32>
      %add3A_242 = arith.addi %mul3A_5, %add3A_241 : vector<16xi32>
      tpu.vector_store_idx %arg6[%add3A_242], %get3A_238 : memref<12900xi32, #tpu.memory_space<vmem>>[vector<16xi32>], vector<16xi32>,
      %get3A_243 = arith.index_cast %add3A_235 : i32 to index
      %get3A_244 = arith.constant 16 : index
      %get3A_245 = tpu.vector_load %arg4[%get3A_243, %get3A_244] {strides = array<i32>} : memref<128x100xi32, #tpu.memory_space<vmem>>, vector<16xi32>,
      %add3A_246 = arith.constant 2064 : i32
      %add3A_247 = arith.addi %add3A_246, %add3A_235 : i32
      %add3A_248 = vector.broadcast %add3A_247 : i32 to vector<16xi32>
      %add3A_249 = arith.addi %mul3A_5, %add3A_248 : vector<16xi32>
      tpu.vector_store_idx %arg6[%add3A_249], %get3A_245 : memref<12900xi32, #tpu.memory_space<vmem>>[vector<16xi32>], vector<16xi32>,
      %get3A_250 = arith.index_cast %add3A_235 : i32 to index
      %get3A_251 = arith.constant 32 : index
      %get3A_252 = tpu.vector_load %arg4[%get3A_250, %get3A_251] {strides = array<i32>} : memref<128x100xi32, #tpu.memory_space<vmem>>, vector<16xi32>,
      %add3A_253 = arith.constant 4128 : i32
      %add3A_254 = arith.addi %add3A_253, %add3A_235 : i32
      %add3A_255 = vector.broadcast %add3A_254 : i32 to vector<16xi32>
      %add3A_256 = arith.addi %mul3A_5, %add3A_255 : vector<16xi32>
      tpu.vector_store_idx %arg6[%add3A_256], %get3A_252 : memref<12900xi32, #tpu.memory_space<vmem>>[vector<16xi32>], vector<16xi32>,
      %get3A_257 = arith.index_cast %add3A_235 : i32 to index
      %get3A_258 = arith.constant 48 : index
      %get3A_259 = tpu.vector_load %arg4[%get3A_257, %get3A_258] {strides = array<i32>} : memref<128x100xi32, #tpu.memory_space<vmem>>, vector<16xi32>,
      %add3A_260 = arith.constant 6192 : i32
      %add3A_261 = arith.addi %add3A_260, %add3A_235 : i32
      %add3A_262 = vector.broadcast %add3A_261 : i32 to vector<16xi32>
      %add3A_263 = arith.addi %mul3A_5, %add3A_262 : vector<16xi32>
      tpu.vector_store_idx %arg6[%add3A_263], %get3A_259 : memref<12900xi32, #tpu.memory_space<vmem>>[vector<16xi32>], vector<16xi32>,
      %get3A_264 = arith.index_cast %add3A_235 : i32 to index
      %get3A_265 = arith.constant 64 : index
      %get3A_266 = tpu.vector_load %arg4[%get3A_264, %get3A_265] {strides = array<i32>} : memref<128x100xi32, #tpu.memory_space<vmem>>, vector<16xi32>,
      %add3A_267 = arith.constant 8256 : i32
      %add3A_268 = arith.addi %add3A_267, %add3A_235 : i32
      %add3A_269 = vector.broadcast %add3A_268 : i32 to vector<16xi32>
      %add3A_270 = arith.addi %mul3A_5, %add3A_269 : vector<16xi32>
      tpu.vector_store_idx %arg6[%add3A_270], %get3A_266 : memref<12900xi32, #tpu.memory_space<vmem>>[vector<16xi32>], vector<16xi32>,
      %get3A_271 = arith.index_cast %add3A_235 : i32 to index
      %get3A_272 = arith.constant 80 : index
      %get3A_273 = tpu.vector_load %arg4[%get3A_271, %get3A_272] {strides = array<i32>} : memref<128x100xi32, #tpu.memory_space<vmem>>, vector<16xi32>,
      %add3A_274 = arith.constant 10320 : i32
      %add3A_275 = arith.addi %add3A_274, %add3A_235 : i32
      %add3A_276 = vector.broadcast %add3A_275 : i32 to vector<16xi32>
      %add3A_277 = arith.addi %mul3A_5, %add3A_276 : vector<16xi32>
      tpu.vector_store_idx %arg6[%add3A_277], %get3A_273 : memref<12900xi32, #tpu.memory_space<vmem>>[vector<16xi32>], vector<16xi32>,
      %get3A_278 = arith.index_cast %add3A_235 : i32 to index
      %get3A_279 = arith.constant 84 : index
      %get3A_280 = tpu.vector_load %arg4[%get3A_278, %get3A_279] {strides = array<i32>} : memref<128x100xi32, #tpu.memory_space<vmem>>, vector<16xi32>,
      %add3A_281 = arith.constant 10836 : i32
      %add3A_282 = arith.addi %add3A_281, %add3A_235 : i32
      %add3A_283 = vector.broadcast %add3A_282 : i32 to vector<16xi32>
      %add3A_284 = arith.addi %mul3A_5, %add3A_283 : vector<16xi32>
      tpu.vector_store_idx %arg6[%add3A_284], %get3A_280 : memref<12900xi32, #tpu.memory_space<vmem>>[vector<16xi32>], vector<16xi32>,
      %mul3A_285 = arith.constant 16 : i32
      %mul3A_286 = arith.muli %scan3A_20, %mul3A_285 : i32
      %add3A_287 = arith.constant 5 : i32
      %add3A_288 = arith.addi %mul3A_286, %add3A_287 : i32
      %get3A_289 = arith.index_cast %add3A_288 : i32 to index
      %get3A_290 = arith.constant 0 : index
      %get3A_291 = tpu.vector_load %arg4[%get3A_289, %get3A_290] {strides = array<i32>} : memref<128x100xi32, #tpu.memory_space<vmem>>, vector<16xi32>,
      %add3A_292 = arith.constant 0 : i32
      %add3A_293 = arith.addi %add3A_292, %add3A_288 : i32
      %add3A_294 = vector.broadcast %add3A_293 : i32 to vector<16xi32>
      %add3A_295 = arith.addi %mul3A_5, %add3A_294 : vector<16xi32>
      tpu.vector_store_idx %arg6[%add3A_295], %get3A_291 : memref<12900xi32, #tpu.memory_space<vmem>>[vector<16xi32>], vector<16xi32>,
      %get3A_296 = arith.index_cast %add3A_288 : i32 to index
      %get3A_297 = arith.constant 16 : index
      %get3A_298 = tpu.vector_load %arg4[%get3A_296, %get3A_297] {strides = array<i32>} : memref<128x100xi32, #tpu.memory_space<vmem>>, vector<16xi32>,
      %add3A_299 = arith.constant 2064 : i32
      %add3A_300 = arith.addi %add3A_299, %add3A_288 : i32
      %add3A_301 = vector.broadcast %add3A_300 : i32 to vector<16xi32>
      %add3A_302 = arith.addi %mul3A_5, %add3A_301 : vector<16xi32>
      tpu.vector_store_idx %arg6[%add3A_302], %get3A_298 : memref<12900xi32, #tpu.memory_space<vmem>>[vector<16xi32>], vector<16xi32>,
      %get3A_303 = arith.index_cast %add3A_288 : i32 to index
      %get3A_304 = arith.constant 32 : index
      %get3A_305 = tpu.vector_load %arg4[%get3A_303, %get3A_304] {strides = array<i32>} : memref<128x100xi32, #tpu.memory_space<vmem>>, vector<16xi32>,
      %add3A_306 = arith.constant 4128 : i32
      %add3A_307 = arith.addi %add3A_306, %add3A_288 : i32
      %add3A_308 = vector.broadcast %add3A_307 : i32 to vector<16xi32>
      %add3A_309 = arith.addi %mul3A_5, %add3A_308 : vector<16xi32>
      tpu.vector_store_idx %arg6[%add3A_309], %get3A_305 : memref<12900xi32, #tpu.memory_space<vmem>>[vector<16xi32>], vector<16xi32>,
      %get3A_310 = arith.index_cast %add3A_288 : i32 to index
      %get3A_311 = arith.constant 48 : index
      %get3A_312 = tpu.vector_load %arg4[%get3A_310, %get3A_311] {strides = array<i32>} : memref<128x100xi32, #tpu.memory_space<vmem>>, vector<16xi32>,
      %add3A_313 = arith.constant 6192 : i32
      %add3A_314 = arith.addi %add3A_313, %add3A_288 : i32
      %add3A_315 = vector.broadcast %add3A_314 : i32 to vector<16xi32>
      %add3A_316 = arith.addi %mul3A_5, %add3A_315 : vector<16xi32>
      tpu.vector_store_idx %arg6[%add3A_316], %get3A_312 : memref<12900xi32, #tpu.memory_space<vmem>>[vector<16xi32>], vector<16xi32>,
      %get3A_317 = arith.index_cast %add3A_288 : i32 to index
      %get3A_318 = arith.constant 64 : index
      %get3A_319 = tpu.vector_load %arg4[%get3A_317, %get3A_318] {strides = array<i32>} : memref<128x100xi32, #tpu.memory_space<vmem>>, vector<16xi32>,
      %add3A_320 = arith.constant 8256 : i32
      %add3A_321 = arith.addi %add3A_320, %add3A_288 : i32
      %add3A_322 = vector.broadcast %add3A_321 : i32 to vector<16xi32>
      %add3A_323 = arith.addi %mul3A_5, %add3A_322 : vector<16xi32>
      tpu.vector_store_idx %arg6[%add3A_323], %get3A_319 : memref<12900xi32, #tpu.memory_space<vmem>>[vector<16xi32>], vector<16xi32>,
      %get3A_324 = arith.index_cast %add3A_288 : i32 to index
      %get3A_325 = arith.constant 80 : index
      %get3A_326 = tpu.vector_load %arg4[%get3A_324, %get3A_325] {strides = array<i32>} : memref<128x100xi32, #tpu.memory_space<vmem>>, vector<16xi32>,
      %add3A_327 = arith.constant 10320 : i32
      %add3A_328 = arith.addi %add3A_327, %add3A_288 : i32
      %add3A_329 = vector.broadcast %add3A_328 : i32 to vector<16xi32>
      %add3A_330 = arith.addi %mul3A_5, %add3A_329 : vector<16xi32>
      tpu.vector_store_idx %arg6[%add3A_330], %get3A_326 : memref<12900xi32, #tpu.memory_space<vmem>>[vector<16xi32>], vector<16xi32>,
      %get3A_331 = arith.index_cast %add3A_288 : i32 to index
      %get3A_332 = arith.constant 84 : index
      %get3A_333 = tpu.vector_load %arg4[%get3A_331, %get3A_332] {strides = array<i32>} : memref<128x100xi32, #tpu.memory_space<vmem>>, vector<16xi32>,
      %add3A_334 = arith.constant 10836 : i32
      %add3A_335 = arith.addi %add3A_334, %add3A_288 : i32
      %add3A_336 = vector.broadcast %add3A_335 : i32 to vector<16xi32>
      %add3A_337 = arith.addi %mul3A_5, %add3A_336 : vector<16xi32>
      tpu.vector_store_idx %arg6[%add3A_337], %get3A_333 : memref<12900xi32, #tpu.memory_space<vmem>>[vector<16xi32>], vector<16xi32>,
      %mul3A_338 = arith.constant 16 : i32
      %mul3A_339 = arith.muli %scan3A_20, %mul3A_338 : i32
      %add3A_340 = arith.constant 6 : i32
      %add3A_341 = arith.addi %mul3A_339, %add3A_340 : i32
      %get3A_342 = arith.index_cast %add3A_341 : i32 to index
      %get3A_343 = arith.constant 0 : index
      %get3A_344 = tpu.vector_load %arg4[%get3A_342, %get3A_343] {strides = array<i32>} : memref<128x100xi32, #tpu.memory_space<vmem>>, vector<16xi32>,
      %add3A_345 = arith.constant 0 : i32
      %add3A_346 = arith.addi %add3A_345, %add3A_341 : i32
      %add3A_347 = vector.broadcast %add3A_346 : i32 to vector<16xi32>
      %add3A_348 = arith.addi %mul3A_5, %add3A_347 : vector<16xi32>
      tpu.vector_store_idx %arg6[%add3A_348], %get3A_344 : memref<12900xi32, #tpu.memory_space<vmem>>[vector<16xi32>], vector<16xi32>,
      %get3A_349 = arith.index_cast %add3A_341 : i32 to index
      %get3A_350 = arith.constant 16 : index
      %get3A_351 = tpu.vector_load %arg4[%get3A_349, %get3A_350] {strides = array<i32>} : memref<128x100xi32, #tpu.memory_space<vmem>>, vector<16xi32>,
      %add3A_352 = arith.constant 2064 : i32
      %add3A_353 = arith.addi %add3A_352, %add3A_341 : i32
      %add3A_354 = vector.broadcast %add3A_353 : i32 to vector<16xi32>
      %add3A_355 = arith.addi %mul3A_5, %add3A_354 : vector<16xi32>
      tpu.vector_store_idx %arg6[%add3A_355], %get3A_351 : memref<12900xi32, #tpu.memory_space<vmem>>[vector<16xi32>], vector<16xi32>,
      %get3A_356 = arith.index_cast %add3A_341 : i32 to index
      %get3A_357 = arith.constant 32 : index
      %get3A_358 = tpu.vector_load %arg4[%get3A_356, %get3A_357] {strides = array<i32>} : memref<128x100xi32, #tpu.memory_space<vmem>>, vector<16xi32>,
      %add3A_359 = arith.constant 4128 : i32
      %add3A_360 = arith.addi %add3A_359, %add3A_341 : i32
      %add3A_361 = vector.broadcast %add3A_360 : i32 to vector<16xi32>
      %add3A_362 = arith.addi %mul3A_5, %add3A_361 : vector<16xi32>
      tpu.vector_store_idx %arg6[%add3A_362], %get3A_358 : memref<12900xi32, #tpu.memory_space<vmem>>[vector<16xi32>], vector<16xi32>,
      %get3A_363 = arith.index_cast %add3A_341 : i32 to index
      %get3A_364 = arith.constant 48 : index
      %get3A_365 = tpu.vector_load %arg4[%get3A_363, %get3A_364] {strides = array<i32>} : memref<128x100xi32, #tpu.memory_space<vmem>>, vector<16xi32>,
      %add3A_366 = arith.constant 6192 : i32
      %add3A_367 = arith.addi %add3A_366, %add3A_341 : i32
      %add3A_368 = vector.broadcast %add3A_367 : i32 to vector<16xi32>
      %add3A_369 = arith.addi %mul3A_5, %add3A_368 : vector<16xi32>
      tpu.vector_store_idx %arg6[%add3A_369], %get3A_365 : memref<12900xi32, #tpu.memory_space<vmem>>[vector<16xi32>], vector<16xi32>,
      %get3A_370 = arith.index_cast %add3A_341 : i32 to index
      %get3A_371 = arith.constant 64 : index
      %get3A_372 = tpu.vector_load %arg4[%get3A_370, %get3A_371] {strides = array<i32>} : memref<128x100xi32, #tpu.memory_space<vmem>>, vector<16xi32>,
      %add3A_373 = arith.constant 8256 : i32
      %add3A_374 = arith.addi %add3A_373, %add3A_341 : i32
      %add3A_375 = vector.broadcast %add3A_374 : i32 to vector<16xi32>
      %add3A_376 = arith.addi %mul3A_5, %add3A_375 : vector<16xi32>
      tpu.vector_store_idx %arg6[%add3A_376], %get3A_372 : memref<12900xi32, #tpu.memory_space<vmem>>[vector<16xi32>], vector<16xi32>,
      %get3A_377 = arith.index_cast %add3A_341 : i32 to index
      %get3A_378 = arith.constant 80 : index
      %get3A_379 = tpu.vector_load %arg4[%get3A_377, %get3A_378] {strides = array<i32>} : memref<128x100xi32, #tpu.memory_space<vmem>>, vector<16xi32>,
      %add3A_380 = arith.constant 10320 : i32
      %add3A_381 = arith.addi %add3A_380, %add3A_341 : i32
      %add3A_382 = vector.broadcast %add3A_381 : i32 to vector<16xi32>
      %add3A_383 = arith.addi %mul3A_5, %add3A_382 : vector<16xi32>
      tpu.vector_store_idx %arg6[%add3A_383], %get3A_379 : memref<12900xi32, #tpu.memory_space<vmem>>[vector<16xi32>], vector<16xi32>,
      %get3A_384 = arith.index_cast %add3A_341 : i32 to index
      %get3A_385 = arith.constant 84 : index
      %get3A_386 = tpu.vector_load %arg4[%get3A_384, %get3A_385] {strides = array<i32>} : memref<128x100xi32, #tpu.memory_space<vmem>>, vector<16xi32>,
      %add3A_387 = arith.constant 10836 : i32
      %add3A_388 = arith.addi %add3A_387, %add3A_341 : i32
      %add3A_389 = vector.broadcast %add3A_388 : i32 to vector<16xi32>
      %add3A_390 = arith.addi %mul3A_5, %add3A_389 : vector<16xi32>
      tpu.vector_store_idx %arg6[%add3A_390], %get3A_386 : memref<12900xi32, #tpu.memory_space<vmem>>[vector<16xi32>], vector<16xi32>,
      %mul3A_391 = arith.constant 16 : i32
      %mul3A_392 = arith.muli %scan3A_20, %mul3A_391 : i32
      %add3A_393 = arith.constant 7 : i32
      %add3A_394 = arith.addi %mul3A_392, %add3A_393 : i32
      %get3A_395 = arith.index_cast %add3A_394 : i32 to index
      %get3A_396 = arith.constant 0 : index
      %get3A_397 = tpu.vector_load %arg4[%get3A_395, %get3A_396] {strides = array<i32>} : memref<128x100xi32, #tpu.memory_space<vmem>>, vector<16xi32>,
      %add3A_398 = arith.constant 0 : i32
      %add3A_399 = arith.addi %add3A_398, %add3A_394 : i32
      %add3A_400 = vector.broadcast %add3A_399 : i32 to vector<16xi32>
      %add3A_401 = arith.addi %mul3A_5, %add3A_400 : vector<16xi32>
      tpu.vector_store_idx %arg6[%add3A_401], %get3A_397 : memref<12900xi32, #tpu.memory_space<vmem>>[vector<16xi32>], vector<16xi32>,
      %get3A_402 = arith.index_cast %add3A_394 : i32 to index
      %get3A_403 = arith.constant 16 : index
      %get3A_404 = tpu.vector_load %arg4[%get3A_402, %get3A_403] {strides = array<i32>} : memref<128x100xi32, #tpu.memory_space<vmem>>, vector<16xi32>,
      %add3A_405 = arith.constant 2064 : i32
      %add3A_406 = arith.addi %add3A_405, %add3A_394 : i32
      %add3A_407 = vector.broadcast %add3A_406 : i32 to vector<16xi32>
      %add3A_408 = arith.addi %mul3A_5, %add3A_407 : vector<16xi32>
      tpu.vector_store_idx %arg6[%add3A_408], %get3A_404 : memref<12900xi32, #tpu.memory_space<vmem>>[vector<16xi32>], vector<16xi32>,
      %get3A_409 = arith.index_cast %add3A_394 : i32 to index
      %get3A_410 = arith.constant 32 : index
      %get3A_411 = tpu.vector_load %arg4[%get3A_409, %get3A_410] {strides = array<i32>} : memref<128x100xi32, #tpu.memory_space<vmem>>, vector<16xi32>,
      %add3A_412 = arith.constant 4128 : i32
      %add3A_413 = arith.addi %add3A_412, %add3A_394 : i32
      %add3A_414 = vector.broadcast %add3A_413 : i32 to vector<16xi32>
      %add3A_415 = arith.addi %mul3A_5, %add3A_414 : vector<16xi32>
      tpu.vector_store_idx %arg6[%add3A_415], %get3A_411 : memref<12900xi32, #tpu.memory_space<vmem>>[vector<16xi32>], vector<16xi32>,
      %get3A_416 = arith.index_cast %add3A_394 : i32 to index
      %get3A_417 = arith.constant 48 : index
      %get3A_418 = tpu.vector_load %arg4[%get3A_416, %get3A_417] {strides = array<i32>} : memref<128x100xi32, #tpu.memory_space<vmem>>, vector<16xi32>,
      %add3A_419 = arith.constant 6192 : i32
      %add3A_420 = arith.addi %add3A_419, %add3A_394 : i32
      %add3A_421 = vector.broadcast %add3A_420 : i32 to vector<16xi32>
      %add3A_422 = arith.addi %mul3A_5, %add3A_421 : vector<16xi32>
      tpu.vector_store_idx %arg6[%add3A_422], %get3A_418 : memref<12900xi32, #tpu.memory_space<vmem>>[vector<16xi32>], vector<16xi32>,
      %get3A_423 = arith.index_cast %add3A_394 : i32 to index
      %get3A_424 = arith.constant 64 : index
      %get3A_425 = tpu.vector_load %arg4[%get3A_423, %get3A_424] {strides = array<i32>} : memref<128x100xi32, #tpu.memory_space<vmem>>, vector<16xi32>,
      %add3A_426 = arith.constant 8256 : i32
      %add3A_427 = arith.addi %add3A_426, %add3A_394 : i32
      %add3A_428 = vector.broadcast %add3A_427 : i32 to vector<16xi32>
      %add3A_429 = arith.addi %mul3A_5, %add3A_428 : vector<16xi32>
      tpu.vector_store_idx %arg6[%add3A_429], %get3A_425 : memref<12900xi32, #tpu.memory_space<vmem>>[vector<16xi32>], vector<16xi32>,
      %get3A_430 = arith.index_cast %add3A_394 : i32 to index
      %get3A_431 = arith.constant 80 : index
      %get3A_432 = tpu.vector_load %arg4[%get3A_430, %get3A_431] {strides = array<i32>} : memref<128x100xi32, #tpu.memory_space<vmem>>, vector<16xi32>,
      %add3A_433 = arith.constant 10320 : i32
      %add3A_434 = arith.addi %add3A_433, %add3A_394 : i32
      %add3A_435 = vector.broadcast %add3A_434 : i32 to vector<16xi32>
      %add3A_436 = arith.addi %mul3A_5, %add3A_435 : vector<16xi32>
      tpu.vector_store_idx %arg6[%add3A_436], %get3A_432 : memref<12900xi32, #tpu.memory_space<vmem>>[vector<16xi32>], vector<16xi32>,
      %get3A_437 = arith.index_cast %add3A_394 : i32 to index
      %get3A_438 = arith.constant 84 : index
      %get3A_439 = tpu.vector_load %arg4[%get3A_437, %get3A_438] {strides = array<i32>} : memref<128x100xi32, #tpu.memory_space<vmem>>, vector<16xi32>,
      %add3A_440 = arith.constant 10836 : i32
      %add3A_441 = arith.addi %add3A_440, %add3A_394 : i32
      %add3A_442 = vector.broadcast %add3A_441 : i32 to vector<16xi32>
      %add3A_443 = arith.addi %mul3A_5, %add3A_442 : vector<16xi32>
      tpu.vector_store_idx %arg6[%add3A_443], %get3A_439 : memref<12900xi32, #tpu.memory_space<vmem>>[vector<16xi32>], vector<16xi32>,
      %mul3A_444 = arith.constant 16 : i32
      %mul3A_445 = arith.muli %scan3A_20, %mul3A_444 : i32
      %add3A_446 = arith.constant 8 : i32
      %add3A_447 = arith.addi %mul3A_445, %add3A_446 : i32
      %get3A_448 = arith.index_cast %add3A_447 : i32 to index
      %get3A_449 = arith.constant 0 : index
      %get3A_450 = tpu.vector_load %arg4[%get3A_448, %get3A_449] {strides = array<i32>} : memref<128x100xi32, #tpu.memory_space<vmem>>, vector<16xi32>,
      %add3A_451 = arith.constant 0 : i32
      %add3A_452 = arith.addi %add3A_451, %add3A_447 : i32
      %add3A_453 = vector.broadcast %add3A_452 : i32 to vector<16xi32>
      %add3A_454 = arith.addi %mul3A_5, %add3A_453 : vector<16xi32>
      tpu.vector_store_idx %arg6[%add3A_454], %get3A_450 : memref<12900xi32, #tpu.memory_space<vmem>>[vector<16xi32>], vector<16xi32>,
      %get3A_455 = arith.index_cast %add3A_447 : i32 to index
      %get3A_456 = arith.constant 16 : index
      %get3A_457 = tpu.vector_load %arg4[%get3A_455, %get3A_456] {strides = array<i32>} : memref<128x100xi32, #tpu.memory_space<vmem>>, vector<16xi32>,
      %add3A_458 = arith.constant 2064 : i32
      %add3A_459 = arith.addi %add3A_458, %add3A_447 : i32
      %add3A_460 = vector.broadcast %add3A_459 : i32 to vector<16xi32>
      %add3A_461 = arith.addi %mul3A_5, %add3A_460 : vector<16xi32>
      tpu.vector_store_idx %arg6[%add3A_461], %get3A_457 : memref<12900xi32, #tpu.memory_space<vmem>>[vector<16xi32>], vector<16xi32>,
      %get3A_462 = arith.index_cast %add3A_447 : i32 to index
      %get3A_463 = arith.constant 32 : index
      %get3A_464 = tpu.vector_load %arg4[%get3A_462, %get3A_463] {strides = array<i32>} : memref<128x100xi32, #tpu.memory_space<vmem>>, vector<16xi32>,
      %add3A_465 = arith.constant 4128 : i32
      %add3A_466 = arith.addi %add3A_465, %add3A_447 : i32
      %add3A_467 = vector.broadcast %add3A_466 : i32 to vector<16xi32>
      %add3A_468 = arith.addi %mul3A_5, %add3A_467 : vector<16xi32>
      tpu.vector_store_idx %arg6[%add3A_468], %get3A_464 : memref<12900xi32, #tpu.memory_space<vmem>>[vector<16xi32>], vector<16xi32>,
      %get3A_469 = arith.index_cast %add3A_447 : i32 to index
      %get3A_470 = arith.constant 48 : index
      %get3A_471 = tpu.vector_load %arg4[%get3A_469, %get3A_470] {strides = array<i32>} : memref<128x100xi32, #tpu.memory_space<vmem>>, vector<16xi32>,
      %add3A_472 = arith.constant 6192 : i32
      %add3A_473 = arith.addi %add3A_472, %add3A_447 : i32
      %add3A_474 = vector.broadcast %add3A_473 : i32 to vector<16xi32>
      %add3A_475 = arith.addi %mul3A_5, %add3A_474 : vector<16xi32>
      tpu.vector_store_idx %arg6[%add3A_475], %get3A_471 : memref<12900xi32, #tpu.memory_space<vmem>>[vector<16xi32>], vector<16xi32>,
      %get3A_476 = arith.index_cast %add3A_447 : i32 to index
      %get3A_477 = arith.constant 64 : index
      %get3A_478 = tpu.vector_load %arg4[%get3A_476, %get3A_477] {strides = array<i32>} : memref<128x100xi32, #tpu.memory_space<vmem>>, vector<16xi32>,
      %add3A_479 = arith.constant 8256 : i32
      %add3A_480 = arith.addi %add3A_479, %add3A_447 : i32
      %add3A_481 = vector.broadcast %add3A_480 : i32 to vector<16xi32>
      %add3A_482 = arith.addi %mul3A_5, %add3A_481 : vector<16xi32>
      tpu.vector_store_idx %arg6[%add3A_482], %get3A_478 : memref<12900xi32, #tpu.memory_space<vmem>>[vector<16xi32>], vector<16xi32>,
      %get3A_483 = arith.index_cast %add3A_447 : i32 to index
      %get3A_484 = arith.constant 80 : index
      %get3A_485 = tpu.vector_load %arg4[%get3A_483, %get3A_484] {strides = array<i32>} : memref<128x100xi32, #tpu.memory_space<vmem>>, vector<16xi32>,
      %add3A_486 = arith.constant 10320 : i32
      %add3A_487 = arith.addi %add3A_486, %add3A_447 : i32
      %add3A_488 = vector.broadcast %add3A_487 : i32 to vector<16xi32>
      %add3A_489 = arith.addi %mul3A_5, %add3A_488 : vector<16xi32>
      tpu.vector_store_idx %arg6[%add3A_489], %get3A_485 : memref<12900xi32, #tpu.memory_space<vmem>>[vector<16xi32>], vector<16xi32>,
      %get3A_490 = arith.index_cast %add3A_447 : i32 to index
      %get3A_491 = arith.constant 84 : index
      %get3A_492 = tpu.vector_load %arg4[%get3A_490, %get3A_491] {strides = array<i32>} : memref<128x100xi32, #tpu.memory_space<vmem>>, vector<16xi32>,
      %add3A_493 = arith.constant 10836 : i32
      %add3A_494 = arith.addi %add3A_493, %add3A_447 : i32
      %add3A_495 = vector.broadcast %add3A_494 : i32 to vector<16xi32>
      %add3A_496 = arith.addi %mul3A_5, %add3A_495 : vector<16xi32>
      tpu.vector_store_idx %arg6[%add3A_496], %get3A_492 : memref<12900xi32, #tpu.memory_space<vmem>>[vector<16xi32>], vector<16xi32>,
      %mul3A_497 = arith.constant 16 : i32
      %mul3A_498 = arith.muli %scan3A_20, %mul3A_497 : i32
      %add3A_499 = arith.constant 9 : i32
      %add3A_500 = arith.addi %mul3A_498, %add3A_499 : i32
      %get3A_501 = arith.index_cast %add3A_500 : i32 to index
      %get3A_502 = arith.constant 0 : index
      %get3A_503 = tpu.vector_load %arg4[%get3A_501, %get3A_502] {strides = array<i32>} : memref<128x100xi32, #tpu.memory_space<vmem>>, vector<16xi32>,
      %add3A_504 = arith.constant 0 : i32
      %add3A_505 = arith.addi %add3A_504, %add3A_500 : i32
      %add3A_506 = vector.broadcast %add3A_505 : i32 to vector<16xi32>
      %add3A_507 = arith.addi %mul3A_5, %add3A_506 : vector<16xi32>
      tpu.vector_store_idx %arg6[%add3A_507], %get3A_503 : memref<12900xi32, #tpu.memory_space<vmem>>[vector<16xi32>], vector<16xi32>,
      %get3A_508 = arith.index_cast %add3A_500 : i32 to index
      %get3A_509 = arith.constant 16 : index
      %get3A_510 = tpu.vector_load %arg4[%get3A_508, %get3A_509] {strides = array<i32>} : memref<128x100xi32, #tpu.memory_space<vmem>>, vector<16xi32>,
      %add3A_511 = arith.constant 2064 : i32
      %add3A_512 = arith.addi %add3A_511, %add3A_500 : i32
      %add3A_513 = vector.broadcast %add3A_512 : i32 to vector<16xi32>
      %add3A_514 = arith.addi %mul3A_5, %add3A_513 : vector<16xi32>
      tpu.vector_store_idx %arg6[%add3A_514], %get3A_510 : memref<12900xi32, #tpu.memory_space<vmem>>[vector<16xi32>], vector<16xi32>,
      %get3A_515 = arith.index_cast %add3A_500 : i32 to index
      %get3A_516 = arith.constant 32 : index
      %get3A_517 = tpu.vector_load %arg4[%get3A_515, %get3A_516] {strides = array<i32>} : memref<128x100xi32, #tpu.memory_space<vmem>>, vector<16xi32>,
      %add3A_518 = arith.constant 4128 : i32
      %add3A_519 = arith.addi %add3A_518, %add3A_500 : i32
      %add3A_520 = vector.broadcast %add3A_519 : i32 to vector<16xi32>
      %add3A_521 = arith.addi %mul3A_5, %add3A_520 : vector<16xi32>
      tpu.vector_store_idx %arg6[%add3A_521], %get3A_517 : memref<12900xi32, #tpu.memory_space<vmem>>[vector<16xi32>], vector<16xi32>,
      %get3A_522 = arith.index_cast %add3A_500 : i32 to index
      %get3A_523 = arith.constant 48 : index
      %get3A_524 = tpu.vector_load %arg4[%get3A_522, %get3A_523] {strides = array<i32>} : memref<128x100xi32, #tpu.memory_space<vmem>>, vector<16xi32>,
      %add3A_525 = arith.constant 6192 : i32
      %add3A_526 = arith.addi %add3A_525, %add3A_500 : i32
      %add3A_527 = vector.broadcast %add3A_526 : i32 to vector<16xi32>
      %add3A_528 = arith.addi %mul3A_5, %add3A_527 : vector<16xi32>
      tpu.vector_store_idx %arg6[%add3A_528], %get3A_524 : memref<12900xi32, #tpu.memory_space<vmem>>[vector<16xi32>], vector<16xi32>,
      %get3A_529 = arith.index_cast %add3A_500 : i32 to index
      %get3A_530 = arith.constant 64 : index
      %get3A_531 = tpu.vector_load %arg4[%get3A_529, %get3A_530] {strides = array<i32>} : memref<128x100xi32, #tpu.memory_space<vmem>>, vector<16xi32>,
      %add3A_532 = arith.constant 8256 : i32
      %add3A_533 = arith.addi %add3A_532, %add3A_500 : i32
      %add3A_534 = vector.broadcast %add3A_533 : i32 to vector<16xi32>
      %add3A_535 = arith.addi %mul3A_5, %add3A_534 : vector<16xi32>
      tpu.vector_store_idx %arg6[%add3A_535], %get3A_531 : memref<12900xi32, #tpu.memory_space<vmem>>[vector<16xi32>], vector<16xi32>,
      %get3A_536 = arith.index_cast %add3A_500 : i32 to index
      %get3A_537 = arith.constant 80 : index
      %get3A_538 = tpu.vector_load %arg4[%get3A_536, %get3A_537] {strides = array<i32>} : memref<128x100xi32, #tpu.memory_space<vmem>>, vector<16xi32>,
      %add3A_539 = arith.constant 10320 : i32
      %add3A_540 = arith.addi %add3A_539, %add3A_500 : i32
      %add3A_541 = vector.broadcast %add3A_540 : i32 to vector<16xi32>
      %add3A_542 = arith.addi %mul3A_5, %add3A_541 : vector<16xi32>
      tpu.vector_store_idx %arg6[%add3A_542], %get3A_538 : memref<12900xi32, #tpu.memory_space<vmem>>[vector<16xi32>], vector<16xi32>,
      %get3A_543 = arith.index_cast %add3A_500 : i32 to index
      %get3A_544 = arith.constant 84 : index
      %get3A_545 = tpu.vector_load %arg4[%get3A_543, %get3A_544] {strides = array<i32>} : memref<128x100xi32, #tpu.memory_space<vmem>>, vector<16xi32>,
      %add3A_546 = arith.constant 10836 : i32
      %add3A_547 = arith.addi %add3A_546, %add3A_500 : i32
      %add3A_548 = vector.broadcast %add3A_547 : i32 to vector<16xi32>
      %add3A_549 = arith.addi %mul3A_5, %add3A_548 : vector<16xi32>
      tpu.vector_store_idx %arg6[%add3A_549], %get3A_545 : memref<12900xi32, #tpu.memory_space<vmem>>[vector<16xi32>], vector<16xi32>,
      %mul3A_550 = arith.constant 16 : i32
      %mul3A_551 = arith.muli %scan3A_20, %mul3A_550 : i32
      %add3A_552 = arith.constant 10 : i32
      %add3A_553 = arith.addi %mul3A_551, %add3A_552 : i32
      %get3A_554 = arith.index_cast %add3A_553 : i32 to index
      %get3A_555 = arith.constant 0 : index
      %get3A_556 = tpu.vector_load %arg4[%get3A_554, %get3A_555] {strides = array<i32>} : memref<128x100xi32, #tpu.memory_space<vmem>>, vector<16xi32>,
      %add3A_557 = arith.constant 0 : i32
      %add3A_558 = arith.addi %add3A_557, %add3A_553 : i32
      %add3A_559 = vector.broadcast %add3A_558 : i32 to vector<16xi32>
      %add3A_560 = arith.addi %mul3A_5, %add3A_559 : vector<16xi32>
      tpu.vector_store_idx %arg6[%add3A_560], %get3A_556 : memref<12900xi32, #tpu.memory_space<vmem>>[vector<16xi32>], vector<16xi32>,
      %get3A_561 = arith.index_cast %add3A_553 : i32 to index
      %get3A_562 = arith.constant 16 : index
      %get3A_563 = tpu.vector_load %arg4[%get3A_561, %get3A_562] {strides = array<i32>} : memref<128x100xi32, #tpu.memory_space<vmem>>, vector<16xi32>,
      %add3A_564 = arith.constant 2064 : i32
      %add3A_565 = arith.addi %add3A_564, %add3A_553 : i32
      %add3A_566 = vector.broadcast %add3A_565 : i32 to vector<16xi32>
      %add3A_567 = arith.addi %mul3A_5, %add3A_566 : vector<16xi32>
      tpu.vector_store_idx %arg6[%add3A_567], %get3A_563 : memref<12900xi32, #tpu.memory_space<vmem>>[vector<16xi32>], vector<16xi32>,
      %get3A_568 = arith.index_cast %add3A_553 : i32 to index
      %get3A_569 = arith.constant 32 : index
      %get3A_570 = tpu.vector_load %arg4[%get3A_568, %get3A_569] {strides = array<i32>} : memref<128x100xi32, #tpu.memory_space<vmem>>, vector<16xi32>,
      %add3A_571 = arith.constant 4128 : i32
      %add3A_572 = arith.addi %add3A_571, %add3A_553 : i32
      %add3A_573 = vector.broadcast %add3A_572 : i32 to vector<16xi32>
      %add3A_574 = arith.addi %mul3A_5, %add3A_573 : vector<16xi32>
      tpu.vector_store_idx %arg6[%add3A_574], %get3A_570 : memref<12900xi32, #tpu.memory_space<vmem>>[vector<16xi32>], vector<16xi32>,
      %get3A_575 = arith.index_cast %add3A_553 : i32 to index
      %get3A_576 = arith.constant 48 : index
      %get3A_577 = tpu.vector_load %arg4[%get3A_575, %get3A_576] {strides = array<i32>} : memref<128x100xi32, #tpu.memory_space<vmem>>, vector<16xi32>,
      %add3A_578 = arith.constant 6192 : i32
      %add3A_579 = arith.addi %add3A_578, %add3A_553 : i32
      %add3A_580 = vector.broadcast %add3A_579 : i32 to vector<16xi32>
      %add3A_581 = arith.addi %mul3A_5, %add3A_580 : vector<16xi32>
      tpu.vector_store_idx %arg6[%add3A_581], %get3A_577 : memref<12900xi32, #tpu.memory_space<vmem>>[vector<16xi32>], vector<16xi32>,
      %get3A_582 = arith.index_cast %add3A_553 : i32 to index
      %get3A_583 = arith.constant 64 : index
      %get3A_584 = tpu.vector_load %arg4[%get3A_582, %get3A_583] {strides = array<i32>} : memref<128x100xi32, #tpu.memory_space<vmem>>, vector<16xi32>,
      %add3A_585 = arith.constant 8256 : i32
      %add3A_586 = arith.addi %add3A_585, %add3A_553 : i32
      %add3A_587 = vector.broadcast %add3A_586 : i32 to vector<16xi32>
      %add3A_588 = arith.addi %mul3A_5, %add3A_587 : vector<16xi32>
      tpu.vector_store_idx %arg6[%add3A_588], %get3A_584 : memref<12900xi32, #tpu.memory_space<vmem>>[vector<16xi32>], vector<16xi32>,
      %get3A_589 = arith.index_cast %add3A_553 : i32 to index
      %get3A_590 = arith.constant 80 : index
      %get3A_591 = tpu.vector_load %arg4[%get3A_589, %get3A_590] {strides = array<i32>} : memref<128x100xi32, #tpu.memory_space<vmem>>, vector<16xi32>,
      %add3A_592 = arith.constant 10320 : i32
      %add3A_593 = arith.addi %add3A_592, %add3A_553 : i32
      %add3A_594 = vector.broadcast %add3A_593 : i32 to vector<16xi32>
      %add3A_595 = arith.addi %mul3A_5, %add3A_594 : vector<16xi32>
      tpu.vector_store_idx %arg6[%add3A_595], %get3A_591 : memref<12900xi32, #tpu.memory_space<vmem>>[vector<16xi32>], vector<16xi32>,
      %get3A_596 = arith.index_cast %add3A_553 : i32 to index
      %get3A_597 = arith.constant 84 : index
      %get3A_598 = tpu.vector_load %arg4[%get3A_596, %get3A_597] {strides = array<i32>} : memref<128x100xi32, #tpu.memory_space<vmem>>, vector<16xi32>,
      %add3A_599 = arith.constant 10836 : i32
      %add3A_600 = arith.addi %add3A_599, %add3A_553 : i32
      %add3A_601 = vector.broadcast %add3A_600 : i32 to vector<16xi32>
      %add3A_602 = arith.addi %mul3A_5, %add3A_601 : vector<16xi32>
      tpu.vector_store_idx %arg6[%add3A_602], %get3A_598 : memref<12900xi32, #tpu.memory_space<vmem>>[vector<16xi32>], vector<16xi32>,
      %mul3A_603 = arith.constant 16 : i32
      %mul3A_604 = arith.muli %scan3A_20, %mul3A_603 : i32
      %add3A_605 = arith.constant 11 : i32
      %add3A_606 = arith.addi %mul3A_604, %add3A_605 : i32
      %get3A_607 = arith.index_cast %add3A_606 : i32 to index
      %get3A_608 = arith.constant 0 : index
      %get3A_609 = tpu.vector_load %arg4[%get3A_607, %get3A_608] {strides = array<i32>} : memref<128x100xi32, #tpu.memory_space<vmem>>, vector<16xi32>,
      %add3A_610 = arith.constant 0 : i32
      %add3A_611 = arith.addi %add3A_610, %add3A_606 : i32
      %add3A_612 = vector.broadcast %add3A_611 : i32 to vector<16xi32>
      %add3A_613 = arith.addi %mul3A_5, %add3A_612 : vector<16xi32>
      tpu.vector_store_idx %arg6[%add3A_613], %get3A_609 : memref<12900xi32, #tpu.memory_space<vmem>>[vector<16xi32>], vector<16xi32>,
      %get3A_614 = arith.index_cast %add3A_606 : i32 to index
      %get3A_615 = arith.constant 16 : index
      %get3A_616 = tpu.vector_load %arg4[%get3A_614, %get3A_615] {strides = array<i32>} : memref<128x100xi32, #tpu.memory_space<vmem>>, vector<16xi32>,
      %add3A_617 = arith.constant 2064 : i32
      %add3A_618 = arith.addi %add3A_617, %add3A_606 : i32
      %add3A_619 = vector.broadcast %add3A_618 : i32 to vector<16xi32>
      %add3A_620 = arith.addi %mul3A_5, %add3A_619 : vector<16xi32>
      tpu.vector_store_idx %arg6[%add3A_620], %get3A_616 : memref<12900xi32, #tpu.memory_space<vmem>>[vector<16xi32>], vector<16xi32>,
      %get3A_621 = arith.index_cast %add3A_606 : i32 to index
      %get3A_622 = arith.constant 32 : index
      %get3A_623 = tpu.vector_load %arg4[%get3A_621, %get3A_622] {strides = array<i32>} : memref<128x100xi32, #tpu.memory_space<vmem>>, vector<16xi32>,
      %add3A_624 = arith.constant 4128 : i32
      %add3A_625 = arith.addi %add3A_624, %add3A_606 : i32
      %add3A_626 = vector.broadcast %add3A_625 : i32 to vector<16xi32>
      %add3A_627 = arith.addi %mul3A_5, %add3A_626 : vector<16xi32>
      tpu.vector_store_idx %arg6[%add3A_627], %get3A_623 : memref<12900xi32, #tpu.memory_space<vmem>>[vector<16xi32>], vector<16xi32>,
      %get3A_628 = arith.index_cast %add3A_606 : i32 to index
      %get3A_629 = arith.constant 48 : index
      %get3A_630 = tpu.vector_load %arg4[%get3A_628, %get3A_629] {strides = array<i32>} : memref<128x100xi32, #tpu.memory_space<vmem>>, vector<16xi32>,
      %add3A_631 = arith.constant 6192 : i32
      %add3A_632 = arith.addi %add3A_631, %add3A_606 : i32
      %add3A_633 = vector.broadcast %add3A_632 : i32 to vector<16xi32>
      %add3A_634 = arith.addi %mul3A_5, %add3A_633 : vector<16xi32>
      tpu.vector_store_idx %arg6[%add3A_634], %get3A_630 : memref<12900xi32, #tpu.memory_space<vmem>>[vector<16xi32>], vector<16xi32>,
      %get3A_635 = arith.index_cast %add3A_606 : i32 to index
      %get3A_636 = arith.constant 64 : index
      %get3A_637 = tpu.vector_load %arg4[%get3A_635, %get3A_636] {strides = array<i32>} : memref<128x100xi32, #tpu.memory_space<vmem>>, vector<16xi32>,
      %add3A_638 = arith.constant 8256 : i32
      %add3A_639 = arith.addi %add3A_638, %add3A_606 : i32
      %add3A_640 = vector.broadcast %add3A_639 : i32 to vector<16xi32>
      %add3A_641 = arith.addi %mul3A_5, %add3A_640 : vector<16xi32>
      tpu.vector_store_idx %arg6[%add3A_641], %get3A_637 : memref<12900xi32, #tpu.memory_space<vmem>>[vector<16xi32>], vector<16xi32>,
      %get3A_642 = arith.index_cast %add3A_606 : i32 to index
      %get3A_643 = arith.constant 80 : index
      %get3A_644 = tpu.vector_load %arg4[%get3A_642, %get3A_643] {strides = array<i32>} : memref<128x100xi32, #tpu.memory_space<vmem>>, vector<16xi32>,
      %add3A_645 = arith.constant 10320 : i32
      %add3A_646 = arith.addi %add3A_645, %add3A_606 : i32
      %add3A_647 = vector.broadcast %add3A_646 : i32 to vector<16xi32>
      %add3A_648 = arith.addi %mul3A_5, %add3A_647 : vector<16xi32>
      tpu.vector_store_idx %arg6[%add3A_648], %get3A_644 : memref<12900xi32, #tpu.memory_space<vmem>>[vector<16xi32>], vector<16xi32>,
      %get3A_649 = arith.index_cast %add3A_606 : i32 to index
      %get3A_650 = arith.constant 84 : index
      %get3A_651 = tpu.vector_load %arg4[%get3A_649, %get3A_650] {strides = array<i32>} : memref<128x100xi32, #tpu.memory_space<vmem>>, vector<16xi32>,
      %add3A_652 = arith.constant 10836 : i32
      %add3A_653 = arith.addi %add3A_652, %add3A_606 : i32
      %add3A_654 = vector.broadcast %add3A_653 : i32 to vector<16xi32>
      %add3A_655 = arith.addi %mul3A_5, %add3A_654 : vector<16xi32>
      tpu.vector_store_idx %arg6[%add3A_655], %get3A_651 : memref<12900xi32, #tpu.memory_space<vmem>>[vector<16xi32>], vector<16xi32>,
      %mul3A_656 = arith.constant 16 : i32
      %mul3A_657 = arith.muli %scan3A_20, %mul3A_656 : i32
      %add3A_658 = arith.constant 12 : i32
      %add3A_659 = arith.addi %mul3A_657, %add3A_658 : i32
      %get3A_660 = arith.index_cast %add3A_659 : i32 to index
      %get3A_661 = arith.constant 0 : index
      %get3A_662 = tpu.vector_load %arg4[%get3A_660, %get3A_661] {strides = array<i32>} : memref<128x100xi32, #tpu.memory_space<vmem>>, vector<16xi32>,
      %add3A_663 = arith.constant 0 : i32
      %add3A_664 = arith.addi %add3A_663, %add3A_659 : i32
      %add3A_665 = vector.broadcast %add3A_664 : i32 to vector<16xi32>
      %add3A_666 = arith.addi %mul3A_5, %add3A_665 : vector<16xi32>
      tpu.vector_store_idx %arg6[%add3A_666], %get3A_662 : memref<12900xi32, #tpu.memory_space<vmem>>[vector<16xi32>], vector<16xi32>,
      %get3A_667 = arith.index_cast %add3A_659 : i32 to index
      %get3A_668 = arith.constant 16 : index
      %get3A_669 = tpu.vector_load %arg4[%get3A_667, %get3A_668] {strides = array<i32>} : memref<128x100xi32, #tpu.memory_space<vmem>>, vector<16xi32>,
      %add3A_670 = arith.constant 2064 : i32
      %add3A_671 = arith.addi %add3A_670, %add3A_659 : i32
      %add3A_672 = vector.broadcast %add3A_671 : i32 to vector<16xi32>
      %add3A_673 = arith.addi %mul3A_5, %add3A_672 : vector<16xi32>
      tpu.vector_store_idx %arg6[%add3A_673], %get3A_669 : memref<12900xi32, #tpu.memory_space<vmem>>[vector<16xi32>], vector<16xi32>,
      %get3A_674 = arith.index_cast %add3A_659 : i32 to index
      %get3A_675 = arith.constant 32 : index
      %get3A_676 = tpu.vector_load %arg4[%get3A_674, %get3A_675] {strides = array<i32>} : memref<128x100xi32, #tpu.memory_space<vmem>>, vector<16xi32>,
      %add3A_677 = arith.constant 4128 : i32
      %add3A_678 = arith.addi %add3A_677, %add3A_659 : i32
      %add3A_679 = vector.broadcast %add3A_678 : i32 to vector<16xi32>
      %add3A_680 = arith.addi %mul3A_5, %add3A_679 : vector<16xi32>
      tpu.vector_store_idx %arg6[%add3A_680], %get3A_676 : memref<12900xi32, #tpu.memory_space<vmem>>[vector<16xi32>], vector<16xi32>,
      %get3A_681 = arith.index_cast %add3A_659 : i32 to index
      %get3A_682 = arith.constant 48 : index
      %get3A_683 = tpu.vector_load %arg4[%get3A_681, %get3A_682] {strides = array<i32>} : memref<128x100xi32, #tpu.memory_space<vmem>>, vector<16xi32>,
      %add3A_684 = arith.constant 6192 : i32
      %add3A_685 = arith.addi %add3A_684, %add3A_659 : i32
      %add3A_686 = vector.broadcast %add3A_685 : i32 to vector<16xi32>
      %add3A_687 = arith.addi %mul3A_5, %add3A_686 : vector<16xi32>
      tpu.vector_store_idx %arg6[%add3A_687], %get3A_683 : memref<12900xi32, #tpu.memory_space<vmem>>[vector<16xi32>], vector<16xi32>,
      %get3A_688 = arith.index_cast %add3A_659 : i32 to index
      %get3A_689 = arith.constant 64 : index
      %get3A_690 = tpu.vector_load %arg4[%get3A_688, %get3A_689] {strides = array<i32>} : memref<128x100xi32, #tpu.memory_space<vmem>>, vector<16xi32>,
      %add3A_691 = arith.constant 8256 : i32
      %add3A_692 = arith.addi %add3A_691, %add3A_659 : i32
      %add3A_693 = vector.broadcast %add3A_692 : i32 to vector<16xi32>
      %add3A_694 = arith.addi %mul3A_5, %add3A_693 : vector<16xi32>
      tpu.vector_store_idx %arg6[%add3A_694], %get3A_690 : memref<12900xi32, #tpu.memory_space<vmem>>[vector<16xi32>], vector<16xi32>,
      %get3A_695 = arith.index_cast %add3A_659 : i32 to index
      %get3A_696 = arith.constant 80 : index
      %get3A_697 = tpu.vector_load %arg4[%get3A_695, %get3A_696] {strides = array<i32>} : memref<128x100xi32, #tpu.memory_space<vmem>>, vector<16xi32>,
      %add3A_698 = arith.constant 10320 : i32
      %add3A_699 = arith.addi %add3A_698, %add3A_659 : i32
      %add3A_700 = vector.broadcast %add3A_699 : i32 to vector<16xi32>
      %add3A_701 = arith.addi %mul3A_5, %add3A_700 : vector<16xi32>
      tpu.vector_store_idx %arg6[%add3A_701], %get3A_697 : memref<12900xi32, #tpu.memory_space<vmem>>[vector<16xi32>], vector<16xi32>,
      %get3A_702 = arith.index_cast %add3A_659 : i32 to index
      %get3A_703 = arith.constant 84 : index
      %get3A_704 = tpu.vector_load %arg4[%get3A_702, %get3A_703] {strides = array<i32>} : memref<128x100xi32, #tpu.memory_space<vmem>>, vector<16xi32>,
      %add3A_705 = arith.constant 10836 : i32
      %add3A_706 = arith.addi %add3A_705, %add3A_659 : i32
      %add3A_707 = vector.broadcast %add3A_706 : i32 to vector<16xi32>
      %add3A_708 = arith.addi %mul3A_5, %add3A_707 : vector<16xi32>
      tpu.vector_store_idx %arg6[%add3A_708], %get3A_704 : memref<12900xi32, #tpu.memory_space<vmem>>[vector<16xi32>], vector<16xi32>,
      %mul3A_709 = arith.constant 16 : i32
      %mul3A_710 = arith.muli %scan3A_20, %mul3A_709 : i32
      %add3A_711 = arith.constant 13 : i32
      %add3A_712 = arith.addi %mul3A_710, %add3A_711 : i32
      %get3A_713 = arith.index_cast %add3A_712 : i32 to index
      %get3A_714 = arith.constant 0 : index
      %get3A_715 = tpu.vector_load %arg4[%get3A_713, %get3A_714] {strides = array<i32>} : memref<128x100xi32, #tpu.memory_space<vmem>>, vector<16xi32>,
      %add3A_716 = arith.constant 0 : i32
      %add3A_717 = arith.addi %add3A_716, %add3A_712 : i32
      %add3A_718 = vector.broadcast %add3A_717 : i32 to vector<16xi32>
      %add3A_719 = arith.addi %mul3A_5, %add3A_718 : vector<16xi32>
      tpu.vector_store_idx %arg6[%add3A_719], %get3A_715 : memref<12900xi32, #tpu.memory_space<vmem>>[vector<16xi32>], vector<16xi32>,
      %get3A_720 = arith.index_cast %add3A_712 : i32 to index
      %get3A_721 = arith.constant 16 : index
      %get3A_722 = tpu.vector_load %arg4[%get3A_720, %get3A_721] {strides = array<i32>} : memref<128x100xi32, #tpu.memory_space<vmem>>, vector<16xi32>,
      %add3A_723 = arith.constant 2064 : i32
      %add3A_724 = arith.addi %add3A_723, %add3A_712 : i32
      %add3A_725 = vector.broadcast %add3A_724 : i32 to vector<16xi32>
      %add3A_726 = arith.addi %mul3A_5, %add3A_725 : vector<16xi32>
      tpu.vector_store_idx %arg6[%add3A_726], %get3A_722 : memref<12900xi32, #tpu.memory_space<vmem>>[vector<16xi32>], vector<16xi32>,
      %get3A_727 = arith.index_cast %add3A_712 : i32 to index
      %get3A_728 = arith.constant 32 : index
      %get3A_729 = tpu.vector_load %arg4[%get3A_727, %get3A_728] {strides = array<i32>} : memref<128x100xi32, #tpu.memory_space<vmem>>, vector<16xi32>,
      %add3A_730 = arith.constant 4128 : i32
      %add3A_731 = arith.addi %add3A_730, %add3A_712 : i32
      %add3A_732 = vector.broadcast %add3A_731 : i32 to vector<16xi32>
      %add3A_733 = arith.addi %mul3A_5, %add3A_732 : vector<16xi32>
      tpu.vector_store_idx %arg6[%add3A_733], %get3A_729 : memref<12900xi32, #tpu.memory_space<vmem>>[vector<16xi32>], vector<16xi32>,
      %get3A_734 = arith.index_cast %add3A_712 : i32 to index
      %get3A_735 = arith.constant 48 : index
      %get3A_736 = tpu.vector_load %arg4[%get3A_734, %get3A_735] {strides = array<i32>} : memref<128x100xi32, #tpu.memory_space<vmem>>, vector<16xi32>,
      %add3A_737 = arith.constant 6192 : i32
      %add3A_738 = arith.addi %add3A_737, %add3A_712 : i32
      %add3A_739 = vector.broadcast %add3A_738 : i32 to vector<16xi32>
      %add3A_740 = arith.addi %mul3A_5, %add3A_739 : vector<16xi32>
      tpu.vector_store_idx %arg6[%add3A_740], %get3A_736 : memref<12900xi32, #tpu.memory_space<vmem>>[vector<16xi32>], vector<16xi32>,
      %get3A_741 = arith.index_cast %add3A_712 : i32 to index
      %get3A_742 = arith.constant 64 : index
      %get3A_743 = tpu.vector_load %arg4[%get3A_741, %get3A_742] {strides = array<i32>} : memref<128x100xi32, #tpu.memory_space<vmem>>, vector<16xi32>,
      %add3A_744 = arith.constant 8256 : i32
      %add3A_745 = arith.addi %add3A_744, %add3A_712 : i32
      %add3A_746 = vector.broadcast %add3A_745 : i32 to vector<16xi32>
      %add3A_747 = arith.addi %mul3A_5, %add3A_746 : vector<16xi32>
      tpu.vector_store_idx %arg6[%add3A_747], %get3A_743 : memref<12900xi32, #tpu.memory_space<vmem>>[vector<16xi32>], vector<16xi32>,
      %get3A_748 = arith.index_cast %add3A_712 : i32 to index
      %get3A_749 = arith.constant 80 : index
      %get3A_750 = tpu.vector_load %arg4[%get3A_748, %get3A_749] {strides = array<i32>} : memref<128x100xi32, #tpu.memory_space<vmem>>, vector<16xi32>,
      %add3A_751 = arith.constant 10320 : i32
      %add3A_752 = arith.addi %add3A_751, %add3A_712 : i32
      %add3A_753 = vector.broadcast %add3A_752 : i32 to vector<16xi32>
      %add3A_754 = arith.addi %mul3A_5, %add3A_753 : vector<16xi32>
      tpu.vector_store_idx %arg6[%add3A_754], %get3A_750 : memref<12900xi32, #tpu.memory_space<vmem>>[vector<16xi32>], vector<16xi32>,
      %get3A_755 = arith.index_cast %add3A_712 : i32 to index
      %get3A_756 = arith.constant 84 : index
      %get3A_757 = tpu.vector_load %arg4[%get3A_755, %get3A_756] {strides = array<i32>} : memref<128x100xi32, #tpu.memory_space<vmem>>, vector<16xi32>,
      %add3A_758 = arith.constant 10836 : i32
      %add3A_759 = arith.addi %add3A_758, %add3A_712 : i32
      %add3A_760 = vector.broadcast %add3A_759 : i32 to vector<16xi32>
      %add3A_761 = arith.addi %mul3A_5, %add3A_760 : vector<16xi32>
      tpu.vector_store_idx %arg6[%add3A_761], %get3A_757 : memref<12900xi32, #tpu.memory_space<vmem>>[vector<16xi32>], vector<16xi32>,
      %mul3A_762 = arith.constant 16 : i32
      %mul3A_763 = arith.muli %scan3A_20, %mul3A_762 : i32
      %add3A_764 = arith.constant 14 : i32
      %add3A_765 = arith.addi %mul3A_763, %add3A_764 : i32
      %get3A_766 = arith.index_cast %add3A_765 : i32 to index
      %get3A_767 = arith.constant 0 : index
      %get3A_768 = tpu.vector_load %arg4[%get3A_766, %get3A_767] {strides = array<i32>} : memref<128x100xi32, #tpu.memory_space<vmem>>, vector<16xi32>,
      %add3A_769 = arith.constant 0 : i32
      %add3A_770 = arith.addi %add3A_769, %add3A_765 : i32
      %add3A_771 = vector.broadcast %add3A_770 : i32 to vector<16xi32>
      %add3A_772 = arith.addi %mul3A_5, %add3A_771 : vector<16xi32>
      tpu.vector_store_idx %arg6[%add3A_772], %get3A_768 : memref<12900xi32, #tpu.memory_space<vmem>>[vector<16xi32>], vector<16xi32>,
      %get3A_773 = arith.index_cast %add3A_765 : i32 to index
      %get3A_774 = arith.constant 16 : index
      %get3A_775 = tpu.vector_load %arg4[%get3A_773, %get3A_774] {strides = array<i32>} : memref<128x100xi32, #tpu.memory_space<vmem>>, vector<16xi32>,
      %add3A_776 = arith.constant 2064 : i32
      %add3A_777 = arith.addi %add3A_776, %add3A_765 : i32
      %add3A_778 = vector.broadcast %add3A_777 : i32 to vector<16xi32>
      %add3A_779 = arith.addi %mul3A_5, %add3A_778 : vector<16xi32>
      tpu.vector_store_idx %arg6[%add3A_779], %get3A_775 : memref<12900xi32, #tpu.memory_space<vmem>>[vector<16xi32>], vector<16xi32>,
      %get3A_780 = arith.index_cast %add3A_765 : i32 to index
      %get3A_781 = arith.constant 32 : index
      %get3A_782 = tpu.vector_load %arg4[%get3A_780, %get3A_781] {strides = array<i32>} : memref<128x100xi32, #tpu.memory_space<vmem>>, vector<16xi32>,
      %add3A_783 = arith.constant 4128 : i32
      %add3A_784 = arith.addi %add3A_783, %add3A_765 : i32
      %add3A_785 = vector.broadcast %add3A_784 : i32 to vector<16xi32>
      %add3A_786 = arith.addi %mul3A_5, %add3A_785 : vector<16xi32>
      tpu.vector_store_idx %arg6[%add3A_786], %get3A_782 : memref<12900xi32, #tpu.memory_space<vmem>>[vector<16xi32>], vector<16xi32>,
      %get3A_787 = arith.index_cast %add3A_765 : i32 to index
      %get3A_788 = arith.constant 48 : index
      %get3A_789 = tpu.vector_load %arg4[%get3A_787, %get3A_788] {strides = array<i32>} : memref<128x100xi32, #tpu.memory_space<vmem>>, vector<16xi32>,
      %add3A_790 = arith.constant 6192 : i32
      %add3A_791 = arith.addi %add3A_790, %add3A_765 : i32
      %add3A_792 = vector.broadcast %add3A_791 : i32 to vector<16xi32>
      %add3A_793 = arith.addi %mul3A_5, %add3A_792 : vector<16xi32>
      tpu.vector_store_idx %arg6[%add3A_793], %get3A_789 : memref<12900xi32, #tpu.memory_space<vmem>>[vector<16xi32>], vector<16xi32>,
      %get3A_794 = arith.index_cast %add3A_765 : i32 to index
      %get3A_795 = arith.constant 64 : index
      %get3A_796 = tpu.vector_load %arg4[%get3A_794, %get3A_795] {strides = array<i32>} : memref<128x100xi32, #tpu.memory_space<vmem>>, vector<16xi32>,
      %add3A_797 = arith.constant 8256 : i32
      %add3A_798 = arith.addi %add3A_797, %add3A_765 : i32
      %add3A_799 = vector.broadcast %add3A_798 : i32 to vector<16xi32>
      %add3A_800 = arith.addi %mul3A_5, %add3A_799 : vector<16xi32>
      tpu.vector_store_idx %arg6[%add3A_800], %get3A_796 : memref<12900xi32, #tpu.memory_space<vmem>>[vector<16xi32>], vector<16xi32>,
      %get3A_801 = arith.index_cast %add3A_765 : i32 to index
      %get3A_802 = arith.constant 80 : index
      %get3A_803 = tpu.vector_load %arg4[%get3A_801, %get3A_802] {strides = array<i32>} : memref<128x100xi32, #tpu.memory_space<vmem>>, vector<16xi32>,
      %add3A_804 = arith.constant 10320 : i32
      %add3A_805 = arith.addi %add3A_804, %add3A_765 : i32
      %add3A_806 = vector.broadcast %add3A_805 : i32 to vector<16xi32>
      %add3A_807 = arith.addi %mul3A_5, %add3A_806 : vector<16xi32>
      tpu.vector_store_idx %arg6[%add3A_807], %get3A_803 : memref<12900xi32, #tpu.memory_space<vmem>>[vector<16xi32>], vector<16xi32>,
      %get3A_808 = arith.index_cast %add3A_765 : i32 to index
      %get3A_809 = arith.constant 84 : index
      %get3A_810 = tpu.vector_load %arg4[%get3A_808, %get3A_809] {strides = array<i32>} : memref<128x100xi32, #tpu.memory_space<vmem>>, vector<16xi32>,
      %add3A_811 = arith.constant 10836 : i32
      %add3A_812 = arith.addi %add3A_811, %add3A_765 : i32
      %add3A_813 = vector.broadcast %add3A_812 : i32 to vector<16xi32>
      %add3A_814 = arith.addi %mul3A_5, %add3A_813 : vector<16xi32>
      tpu.vector_store_idx %arg6[%add3A_814], %get3A_810 : memref<12900xi32, #tpu.memory_space<vmem>>[vector<16xi32>], vector<16xi32>,
      %mul3A_815 = arith.constant 16 : i32
      %mul3A_816 = arith.muli %scan3A_20, %mul3A_815 : i32
      %add3A_817 = arith.constant 15 : i32
      %add3A_818 = arith.addi %mul3A_816, %add3A_817 : i32
      %get3A_819 = arith.index_cast %add3A_818 : i32 to index
      %get3A_820 = arith.constant 0 : index
      %get3A_821 = tpu.vector_load %arg4[%get3A_819, %get3A_820] {strides = array<i32>} : memref<128x100xi32, #tpu.memory_space<vmem>>, vector<16xi32>,
      %add3A_822 = arith.constant 0 : i32
      %add3A_823 = arith.addi %add3A_822, %add3A_818 : i32
      %add3A_824 = vector.broadcast %add3A_823 : i32 to vector<16xi32>
      %add3A_825 = arith.addi %mul3A_5, %add3A_824 : vector<16xi32>
      tpu.vector_store_idx %arg6[%add3A_825], %get3A_821 : memref<12900xi32, #tpu.memory_space<vmem>>[vector<16xi32>], vector<16xi32>,
      %get3A_826 = arith.index_cast %add3A_818 : i32 to index
      %get3A_827 = arith.constant 16 : index
      %get3A_828 = tpu.vector_load %arg4[%get3A_826, %get3A_827] {strides = array<i32>} : memref<128x100xi32, #tpu.memory_space<vmem>>, vector<16xi32>,
      %add3A_829 = arith.constant 2064 : i32
      %add3A_830 = arith.addi %add3A_829, %add3A_818 : i32
      %add3A_831 = vector.broadcast %add3A_830 : i32 to vector<16xi32>
      %add3A_832 = arith.addi %mul3A_5, %add3A_831 : vector<16xi32>
      tpu.vector_store_idx %arg6[%add3A_832], %get3A_828 : memref<12900xi32, #tpu.memory_space<vmem>>[vector<16xi32>], vector<16xi32>,
      %get3A_833 = arith.index_cast %add3A_818 : i32 to index
      %get3A_834 = arith.constant 32 : index
      %get3A_835 = tpu.vector_load %arg4[%get3A_833, %get3A_834] {strides = array<i32>} : memref<128x100xi32, #tpu.memory_space<vmem>>, vector<16xi32>,
      %add3A_836 = arith.constant 4128 : i32
      %add3A_837 = arith.addi %add3A_836, %add3A_818 : i32
      %add3A_838 = vector.broadcast %add3A_837 : i32 to vector<16xi32>
      %add3A_839 = arith.addi %mul3A_5, %add3A_838 : vector<16xi32>
      tpu.vector_store_idx %arg6[%add3A_839], %get3A_835 : memref<12900xi32, #tpu.memory_space<vmem>>[vector<16xi32>], vector<16xi32>,
      %get3A_840 = arith.index_cast %add3A_818 : i32 to index
      %get3A_841 = arith.constant 48 : index
      %get3A_842 = tpu.vector_load %arg4[%get3A_840, %get3A_841] {strides = array<i32>} : memref<128x100xi32, #tpu.memory_space<vmem>>, vector<16xi32>,
      %add3A_843 = arith.constant 6192 : i32
      %add3A_844 = arith.addi %add3A_843, %add3A_818 : i32
      %add3A_845 = vector.broadcast %add3A_844 : i32 to vector<16xi32>
      %add3A_846 = arith.addi %mul3A_5, %add3A_845 : vector<16xi32>
      tpu.vector_store_idx %arg6[%add3A_846], %get3A_842 : memref<12900xi32, #tpu.memory_space<vmem>>[vector<16xi32>], vector<16xi32>,
      %get3A_847 = arith.index_cast %add3A_818 : i32 to index
      %get3A_848 = arith.constant 64 : index
      %get3A_849 = tpu.vector_load %arg4[%get3A_847, %get3A_848] {strides = array<i32>} : memref<128x100xi32, #tpu.memory_space<vmem>>, vector<16xi32>,
      %add3A_850 = arith.constant 8256 : i32
      %add3A_851 = arith.addi %add3A_850, %add3A_818 : i32
      %add3A_852 = vector.broadcast %add3A_851 : i32 to vector<16xi32>
      %add3A_853 = arith.addi %mul3A_5, %add3A_852 : vector<16xi32>
      tpu.vector_store_idx %arg6[%add3A_853], %get3A_849 : memref<12900xi32, #tpu.memory_space<vmem>>[vector<16xi32>], vector<16xi32>,
      %get3A_854 = arith.index_cast %add3A_818 : i32 to index
      %get3A_855 = arith.constant 80 : index
      %get3A_856 = tpu.vector_load %arg4[%get3A_854, %get3A_855] {strides = array<i32>} : memref<128x100xi32, #tpu.memory_space<vmem>>, vector<16xi32>,
      %add3A_857 = arith.constant 10320 : i32
      %add3A_858 = arith.addi %add3A_857, %add3A_818 : i32
      %add3A_859 = vector.broadcast %add3A_858 : i32 to vector<16xi32>
      %add3A_860 = arith.addi %mul3A_5, %add3A_859 : vector<16xi32>
      tpu.vector_store_idx %arg6[%add3A_860], %get3A_856 : memref<12900xi32, #tpu.memory_space<vmem>>[vector<16xi32>], vector<16xi32>,
      %get3A_861 = arith.index_cast %add3A_818 : i32 to index
      %get3A_862 = arith.constant 84 : index
      %get3A_863 = tpu.vector_load %arg4[%get3A_861, %get3A_862] {strides = array<i32>} : memref<128x100xi32, #tpu.memory_space<vmem>>, vector<16xi32>,
      %add3A_864 = arith.constant 10836 : i32
      %add3A_865 = arith.addi %add3A_864, %add3A_818 : i32
      %add3A_866 = vector.broadcast %add3A_865 : i32 to vector<16xi32>
      %add3A_867 = arith.addi %mul3A_5, %add3A_866 : vector<16xi32>
      tpu.vector_store_idx %arg6[%add3A_867], %get3A_863 : memref<12900xi32, #tpu.memory_space<vmem>>[vector<16xi32>], vector<16xi32>,
    }
    %scan3A_12 = arith.constant 8 : i32
    %scan3A_13 = arith.constant 0 : i32
    %scan3A_14 = arith.constant 8 : i32
    %scan3A_15 = arith.addi %scan3A_13, %scan3A_14 : i32
    %scan3A_16 = arith.constant 1 : i32
    scf.for %scan3A_20 = %scan3A_13 to %scan3A_15 step %scan3A_16  : i32 {
      %mul3A_21 = arith.constant 16 : i32
      %mul3A_22 = arith.muli %scan3A_20, %mul3A_21 : i32
      %add3A_23 = arith.constant 0 : i32
      %add3A_24 = arith.addi %add3A_23, %mul3A_22 : i32
      %get3A = arith.index_cast %add3A_24 : i32 to index
      %get3A_25 = tpu.vector_load %arg6[%get3A] {strides = array<i32>} : memref<12900xi32, #tpu.memory_space<vmem>>, vector<16xi32>,
      %mul3A_26 = arith.constant 16 : i32
      %mul3A_27 = arith.muli %scan3A_20, %mul3A_26 : i32
      %add3A_28 = arith.constant 258 : i32
      %add3A_29 = arith.addi %add3A_28, %mul3A_27 : i32
      %get3A_30 = arith.index_cast %add3A_29 : i32 to index
      %get3A_31 = tpu.vector_load %arg6[%get3A_30] {strides = array<i32>} : memref<12900xi32, #tpu.memory_space<vmem>>, vector<16xi32>,
      %mul3A_32 = arith.constant 16 : i32
      %mul3A_33 = arith.muli %scan3A_20, %mul3A_32 : i32
      %add3A_34 = arith.constant 516 : i32
      %add3A_35 = arith.addi %add3A_34, %mul3A_33 : i32
      %get3A_36 = arith.index_cast %add3A_35 : i32 to index
      %get3A_37 = tpu.vector_load %arg6[%get3A_36] {strides = array<i32>} : memref<12900xi32, #tpu.memory_space<vmem>>, vector<16xi32>,
      %mul3A_38 = arith.constant 16 : i32
      %mul3A_39 = arith.muli %scan3A_20, %mul3A_38 : i32
      %add3A_40 = arith.constant 645 : i32
      %add3A_41 = arith.addi %add3A_40, %mul3A_39 : i32
      %get3A_42 = arith.index_cast %add3A_41 : i32 to index
      %get3A_43 = tpu.vector_load %arg6[%get3A_42] {strides = array<i32>} : memref<12900xi32, #tpu.memory_space<vmem>>, vector<16xi32>,
      %mul3A_44 = arith.constant 16 : i32
      %mul3A_45 = arith.muli %scan3A_20, %mul3A_44 : i32
      %add3A_46 = arith.constant 774 : i32
      %add3A_47 = arith.addi %add3A_46, %mul3A_45 : i32
      %get3A_48 = arith.index_cast %add3A_47 : i32 to index
      %get3A_49 = tpu.vector_load %arg6[%get3A_48] {strides = array<i32>} : memref<12900xi32, #tpu.memory_space<vmem>>, vector<16xi32>,
      %mul3A_50 = arith.constant 16 : i32
      %mul3A_51 = arith.muli %scan3A_20, %mul3A_50 : i32
      %add3A_52 = arith.constant 903 : i32
      %add3A_53 = arith.addi %add3A_52, %mul3A_51 : i32
      %get3A_54 = arith.index_cast %add3A_53 : i32 to index
      %get3A_55 = tpu.vector_load %arg6[%get3A_54] {strides = array<i32>} : memref<12900xi32, #tpu.memory_space<vmem>>, vector<16xi32>,
      %mul3A_56 = arith.constant 16 : i32
      %mul3A_57 = arith.muli %scan3A_20, %mul3A_56 : i32
      %add3A_58 = arith.constant 1161 : i32
      %add3A_59 = arith.addi %add3A_58, %mul3A_57 : i32
      %get3A_60 = arith.index_cast %add3A_59 : i32 to index
      %get3A_61 = tpu.vector_load %arg6[%get3A_60] {strides = array<i32>} : memref<12900xi32, #tpu.memory_space<vmem>>, vector<16xi32>,
      %mul3A_62 = arith.constant 16 : i32
      %mul3A_63 = arith.muli %scan3A_20, %mul3A_62 : i32
      %add3A_64 = arith.constant 1419 : i32
      %add3A_65 = arith.addi %add3A_64, %mul3A_63 : i32
      %get3A_66 = arith.index_cast %add3A_65 : i32 to index
      %get3A_67 = tpu.vector_load %arg6[%get3A_66] {strides = array<i32>} : memref<12900xi32, #tpu.memory_space<vmem>>, vector<16xi32>,
      %mul3A_68 = arith.constant 16 : i32
      %mul3A_69 = arith.muli %scan3A_20, %mul3A_68 : i32
      %add3A_70 = arith.constant 1548 : i32
      %add3A_71 = arith.addi %add3A_70, %mul3A_69 : i32
      %get3A_72 = arith.index_cast %add3A_71 : i32 to index
      %get3A_73 = tpu.vector_load %arg6[%get3A_72] {strides = array<i32>} : memref<12900xi32, #tpu.memory_space<vmem>>, vector<16xi32>,
      %mul3A_74 = arith.constant 16 : i32
      %mul3A_75 = arith.muli %scan3A_20, %mul3A_74 : i32
      %add3A_76 = arith.constant 1677 : i32
      %add3A_77 = arith.addi %add3A_76, %mul3A_75 : i32
      %get3A_78 = arith.index_cast %add3A_77 : i32 to index
      %get3A_79 = tpu.vector_load %arg6[%get3A_78] {strides = array<i32>} : memref<12900xi32, #tpu.memory_space<vmem>>, vector<16xi32>,
      %mul3A_80 = arith.constant 16 : i32
      %mul3A_81 = arith.muli %scan3A_20, %mul3A_80 : i32
      %add3A_82 = arith.constant 1806 : i32
      %add3A_83 = arith.addi %add3A_82, %mul3A_81 : i32
      %get3A_84 = arith.index_cast %add3A_83 : i32 to index
      %get3A_85 = tpu.vector_load %arg6[%get3A_84] {strides = array<i32>} : memref<12900xi32, #tpu.memory_space<vmem>>, vector<16xi32>,
      %mul3A_86 = arith.constant 16 : i32
      %mul3A_87 = arith.muli %scan3A_20, %mul3A_86 : i32
      %add3A_88 = arith.constant 2064 : i32
      %add3A_89 = arith.addi %add3A_88, %mul3A_87 : i32
      %get3A_90 = arith.index_cast %add3A_89 : i32 to index
      %get3A_91 = tpu.vector_load %arg6[%get3A_90] {strides = array<i32>} : memref<12900xi32, #tpu.memory_space<vmem>>, vector<16xi32>,
      %mul3A_92 = arith.constant 16 : i32
      %mul3A_93 = arith.muli %scan3A_20, %mul3A_92 : i32
      %add3A_94 = arith.constant 2322 : i32
      %add3A_95 = arith.addi %add3A_94, %mul3A_93 : i32
      %get3A_96 = arith.index_cast %add3A_95 : i32 to index
      %get3A_97 = tpu.vector_load %arg6[%get3A_96] {strides = array<i32>} : memref<12900xi32, #tpu.memory_space<vmem>>, vector<16xi32>,
      %mul3A_98 = arith.constant 16 : i32
      %mul3A_99 = arith.muli %scan3A_20, %mul3A_98 : i32
      %add3A_100 = arith.constant 2451 : i32
      %add3A_101 = arith.addi %add3A_100, %mul3A_99 : i32
      %get3A_102 = arith.index_cast %add3A_101 : i32 to index
      %get3A_103 = tpu.vector_load %arg6[%get3A_102] {strides = array<i32>} : memref<12900xi32, #tpu.memory_space<vmem>>, vector<16xi32>,
      %mul3A_104 = arith.constant 16 : i32
      %mul3A_105 = arith.muli %scan3A_20, %mul3A_104 : i32
      %add3A_106 = arith.constant 2580 : i32
      %add3A_107 = arith.addi %add3A_106, %mul3A_105 : i32
      %get3A_108 = arith.index_cast %add3A_107 : i32 to index
      %get3A_109 = tpu.vector_load %arg6[%get3A_108] {strides = array<i32>} : memref<12900xi32, #tpu.memory_space<vmem>>, vector<16xi32>,
      %mul3A_110 = arith.constant 16 : i32
      %mul3A_111 = arith.muli %scan3A_20, %mul3A_110 : i32
      %add3A_112 = arith.constant 2709 : i32
      %add3A_113 = arith.addi %add3A_112, %mul3A_111 : i32
      %get3A_114 = arith.index_cast %add3A_113 : i32 to index
      %get3A_115 = tpu.vector_load %arg6[%get3A_114] {strides = array<i32>} : memref<12900xi32, #tpu.memory_space<vmem>>, vector<16xi32>,
      %mul3A_116 = arith.constant 16 : i32
      %mul3A_117 = arith.muli %scan3A_20, %mul3A_116 : i32
      %add3A_118 = arith.constant 2967 : i32
      %add3A_119 = arith.addi %add3A_118, %mul3A_117 : i32
      %get3A_120 = arith.index_cast %add3A_119 : i32 to index
      %get3A_121 = tpu.vector_load %arg6[%get3A_120] {strides = array<i32>} : memref<12900xi32, #tpu.memory_space<vmem>>, vector<16xi32>,
      %mul3A_122 = arith.constant 16 : i32
      %mul3A_123 = arith.muli %scan3A_20, %mul3A_122 : i32
      %add3A_124 = arith.constant 3225 : i32
      %add3A_125 = arith.addi %add3A_124, %mul3A_123 : i32
      %get3A_126 = arith.index_cast %add3A_125 : i32 to index
      %get3A_127 = tpu.vector_load %arg6[%get3A_126] {strides = array<i32>} : memref<12900xi32, #tpu.memory_space<vmem>>, vector<16xi32>,
      %mul3A_128 = arith.constant 16 : i32
      %mul3A_129 = arith.muli %scan3A_20, %mul3A_128 : i32
      %add3A_130 = arith.constant 3354 : i32
      %add3A_131 = arith.addi %add3A_130, %mul3A_129 : i32
      %get3A_132 = arith.index_cast %add3A_131 : i32 to index
      %get3A_133 = tpu.vector_load %arg6[%get3A_132] {strides = array<i32>} : memref<12900xi32, #tpu.memory_space<vmem>>, vector<16xi32>,
      %mul3A_134 = arith.constant 16 : i32
      %mul3A_135 = arith.muli %scan3A_20, %mul3A_134 : i32
      %add3A_136 = arith.constant 3483 : i32
      %add3A_137 = arith.addi %add3A_136, %mul3A_135 : i32
      %get3A_138 = arith.index_cast %add3A_137 : i32 to index
      %get3A_139 = tpu.vector_load %arg6[%get3A_138] {strides = array<i32>} : memref<12900xi32, #tpu.memory_space<vmem>>, vector<16xi32>,
      %mul3A_140 = arith.constant 16 : i32
      %mul3A_141 = arith.muli %scan3A_20, %mul3A_140 : i32
      %add3A_142 = arith.constant 3612 : i32
      %add3A_143 = arith.addi %add3A_142, %mul3A_141 : i32
      %get3A_144 = arith.index_cast %add3A_143 : i32 to index
      %get3A_145 = tpu.vector_load %arg6[%get3A_144] {strides = array<i32>} : memref<12900xi32, #tpu.memory_space<vmem>>, vector<16xi32>,
      %mul3A_146 = arith.constant 16 : i32
      %mul3A_147 = arith.muli %scan3A_20, %mul3A_146 : i32
      %add3A_148 = arith.constant 3741 : i32
      %add3A_149 = arith.addi %add3A_148, %mul3A_147 : i32
      %get3A_150 = arith.index_cast %add3A_149 : i32 to index
      %get3A_151 = tpu.vector_load %arg6[%get3A_150] {strides = array<i32>} : memref<12900xi32, #tpu.memory_space<vmem>>, vector<16xi32>,
      %mul3A_152 = arith.constant 16 : i32
      %mul3A_153 = arith.muli %scan3A_20, %mul3A_152 : i32
      %add3A_154 = arith.constant 3870 : i32
      %add3A_155 = arith.addi %add3A_154, %mul3A_153 : i32
      %get3A_156 = arith.index_cast %add3A_155 : i32 to index
      %get3A_157 = tpu.vector_load %arg6[%get3A_156] {strides = array<i32>} : memref<12900xi32, #tpu.memory_space<vmem>>, vector<16xi32>,
      %mul3A_158 = arith.constant 16 : i32
      %mul3A_159 = arith.muli %scan3A_20, %mul3A_158 : i32
      %add3A_160 = arith.constant 4128 : i32
      %add3A_161 = arith.addi %add3A_160, %mul3A_159 : i32
      %get3A_162 = arith.index_cast %add3A_161 : i32 to index
      %get3A_163 = tpu.vector_load %arg6[%get3A_162] {strides = array<i32>} : memref<12900xi32, #tpu.memory_space<vmem>>, vector<16xi32>,
      %mul3A_164 = arith.constant 16 : i32
      %mul3A_165 = arith.muli %scan3A_20, %mul3A_164 : i32
      %add3A_166 = arith.constant 4257 : i32
      %add3A_167 = arith.addi %add3A_166, %mul3A_165 : i32
      %get3A_168 = arith.index_cast %add3A_167 : i32 to index
      %get3A_169 = tpu.vector_load %arg6[%get3A_168] {strides = array<i32>} : memref<12900xi32, #tpu.memory_space<vmem>>, vector<16xi32>,
      %mul3A_170 = arith.constant 16 : i32
      %mul3A_171 = arith.muli %scan3A_20, %mul3A_170 : i32
      %add3A_172 = arith.constant 4386 : i32
      %add3A_173 = arith.addi %add3A_172, %mul3A_171 : i32
      %get3A_174 = arith.index_cast %add3A_173 : i32 to index
      %get3A_175 = tpu.vector_load %arg6[%get3A_174] {strides = array<i32>} : memref<12900xi32, #tpu.memory_space<vmem>>, vector<16xi32>,
      %mul3A_176 = arith.constant 16 : i32
      %mul3A_177 = arith.muli %scan3A_20, %mul3A_176 : i32
      %add3A_178 = arith.constant 4515 : i32
      %add3A_179 = arith.addi %add3A_178, %mul3A_177 : i32
      %get3A_180 = arith.index_cast %add3A_179 : i32 to index
      %get3A_181 = tpu.vector_load %arg6[%get3A_180] {strides = array<i32>} : memref<12900xi32, #tpu.memory_space<vmem>>, vector<16xi32>,
      %mul3A_182 = arith.constant 16 : i32
      %mul3A_183 = arith.muli %scan3A_20, %mul3A_182 : i32
      %add3A_184 = arith.constant 4644 : i32
      %add3A_185 = arith.addi %add3A_184, %mul3A_183 : i32
      %get3A_186 = arith.index_cast %add3A_185 : i32 to index
      %get3A_187 = tpu.vector_load %arg6[%get3A_186] {strides = array<i32>} : memref<12900xi32, #tpu.memory_space<vmem>>, vector<16xi32>,
      %mul3A_188 = arith.constant 16 : i32
      %mul3A_189 = arith.muli %scan3A_20, %mul3A_188 : i32
      %add3A_190 = arith.constant 4773 : i32
      %add3A_191 = arith.addi %add3A_190, %mul3A_189 : i32
      %get3A_192 = arith.index_cast %add3A_191 : i32 to index
      %get3A_193 = tpu.vector_load %arg6[%get3A_192] {strides = array<i32>} : memref<12900xi32, #tpu.memory_space<vmem>>, vector<16xi32>,
      %mul3A_194 = arith.constant 16 : i32
      %mul3A_195 = arith.muli %scan3A_20, %mul3A_194 : i32
      %add3A_196 = arith.constant 5031 : i32
      %add3A_197 = arith.addi %add3A_196, %mul3A_195 : i32
      %get3A_198 = arith.index_cast %add3A_197 : i32 to index
      %get3A_199 = tpu.vector_load %arg6[%get3A_198] {strides = array<i32>} : memref<12900xi32, #tpu.memory_space<vmem>>, vector<16xi32>,
      %mul3A_200 = arith.constant 16 : i32
      %mul3A_201 = arith.muli %scan3A_20, %mul3A_200 : i32
      %add3A_202 = arith.constant 5160 : i32
      %add3A_203 = arith.addi %add3A_202, %mul3A_201 : i32
      %get3A_204 = arith.index_cast %add3A_203 : i32 to index
      %get3A_205 = tpu.vector_load %arg6[%get3A_204] {strides = array<i32>} : memref<12900xi32, #tpu.memory_space<vmem>>, vector<16xi32>,
      %mul3A_206 = arith.constant 16 : i32
      %mul3A_207 = arith.muli %scan3A_20, %mul3A_206 : i32
      %add3A_208 = arith.constant 5289 : i32
      %add3A_209 = arith.addi %add3A_208, %mul3A_207 : i32
      %get3A_210 = arith.index_cast %add3A_209 : i32 to index
      %get3A_211 = tpu.vector_load %arg6[%get3A_210] {strides = array<i32>} : memref<12900xi32, #tpu.memory_space<vmem>>, vector<16xi32>,
      %mul3A_212 = arith.constant 16 : i32
      %mul3A_213 = arith.muli %scan3A_20, %mul3A_212 : i32
      %add3A_214 = arith.constant 5418 : i32
      %add3A_215 = arith.addi %add3A_214, %mul3A_213 : i32
      %get3A_216 = arith.index_cast %add3A_215 : i32 to index
      %get3A_217 = tpu.vector_load %arg6[%get3A_216] {strides = array<i32>} : memref<12900xi32, #tpu.memory_space<vmem>>, vector<16xi32>,
      %mul3A_218 = arith.constant 16 : i32
      %mul3A_219 = arith.muli %scan3A_20, %mul3A_218 : i32
      %add3A_220 = arith.constant 5547 : i32
      %add3A_221 = arith.addi %add3A_220, %mul3A_219 : i32
      %get3A_222 = arith.index_cast %add3A_221 : i32 to index
      %get3A_223 = tpu.vector_load %arg6[%get3A_222] {strides = array<i32>} : memref<12900xi32, #tpu.memory_space<vmem>>, vector<16xi32>,
      %mul3A_224 = arith.constant 16 : i32
      %mul3A_225 = arith.muli %scan3A_20, %mul3A_224 : i32
      %add3A_226 = arith.constant 5676 : i32
      %add3A_227 = arith.addi %add3A_226, %mul3A_225 : i32
      %get3A_228 = arith.index_cast %add3A_227 : i32 to index
      %get3A_229 = tpu.vector_load %arg6[%get3A_228] {strides = array<i32>} : memref<12900xi32, #tpu.memory_space<vmem>>, vector<16xi32>,
      %mul3A_230 = arith.constant 16 : i32
      %mul3A_231 = arith.muli %scan3A_20, %mul3A_230 : i32
      %add3A_232 = arith.constant 5934 : i32
      %add3A_233 = arith.addi %add3A_232, %mul3A_231 : i32
      %get3A_234 = arith.index_cast %add3A_233 : i32 to index
      %get3A_235 = tpu.vector_load %arg6[%get3A_234] {strides = array<i32>} : memref<12900xi32, #tpu.memory_space<vmem>>, vector<16xi32>,
      %mul3A_236 = arith.constant 16 : i32
      %mul3A_237 = arith.muli %scan3A_20, %mul3A_236 : i32
      %add3A_238 = arith.constant 6063 : i32
      %add3A_239 = arith.addi %add3A_238, %mul3A_237 : i32
      %get3A_240 = arith.index_cast %add3A_239 : i32 to index
      %get3A_241 = tpu.vector_load %arg6[%get3A_240] {strides = array<i32>} : memref<12900xi32, #tpu.memory_space<vmem>>, vector<16xi32>,
      %mul3A_242 = arith.constant 16 : i32
      %mul3A_243 = arith.muli %scan3A_20, %mul3A_242 : i32
      %add3A_244 = arith.constant 6192 : i32
      %add3A_245 = arith.addi %add3A_244, %mul3A_243 : i32
      %get3A_246 = arith.index_cast %add3A_245 : i32 to index
      %get3A_247 = tpu.vector_load %arg6[%get3A_246] {strides = array<i32>} : memref<12900xi32, #tpu.memory_space<vmem>>, vector<16xi32>,
      %mul3A_248 = arith.constant 16 : i32
      %mul3A_249 = arith.muli %scan3A_20, %mul3A_248 : i32
      %add3A_250 = arith.constant 6321 : i32
      %add3A_251 = arith.addi %add3A_250, %mul3A_249 : i32
      %get3A_252 = arith.index_cast %add3A_251 : i32 to index
      %get3A_253 = tpu.vector_load %arg6[%get3A_252] {strides = array<i32>} : memref<12900xi32, #tpu.memory_space<vmem>>, vector<16xi32>,
      %mul3A_254 = arith.constant 16 : i32
      %mul3A_255 = arith.muli %scan3A_20, %mul3A_254 : i32
      %add3A_256 = arith.constant 6450 : i32
      %add3A_257 = arith.addi %add3A_256, %mul3A_255 : i32
      %get3A_258 = arith.index_cast %add3A_257 : i32 to index
      %get3A_259 = tpu.vector_load %arg6[%get3A_258] {strides = array<i32>} : memref<12900xi32, #tpu.memory_space<vmem>>, vector<16xi32>,
      %mul3A_260 = arith.constant 16 : i32
      %mul3A_261 = arith.muli %scan3A_20, %mul3A_260 : i32
      %add3A_262 = arith.constant 6579 : i32
      %add3A_263 = arith.addi %add3A_262, %mul3A_261 : i32
      %get3A_264 = arith.index_cast %add3A_263 : i32 to index
      %get3A_265 = tpu.vector_load %arg6[%get3A_264] {strides = array<i32>} : memref<12900xi32, #tpu.memory_space<vmem>>, vector<16xi32>,
      %mul3A_266 = arith.constant 16 : i32
      %mul3A_267 = arith.muli %scan3A_20, %mul3A_266 : i32
      %add3A_268 = arith.constant 6837 : i32
      %add3A_269 = arith.addi %add3A_268, %mul3A_267 : i32
      %get3A_270 = arith.index_cast %add3A_269 : i32 to index
      %get3A_271 = tpu.vector_load %arg6[%get3A_270] {strides = array<i32>} : memref<12900xi32, #tpu.memory_space<vmem>>, vector<16xi32>,
      %mul3A_272 = arith.constant 16 : i32
      %mul3A_273 = arith.muli %scan3A_20, %mul3A_272 : i32
      %add3A_274 = arith.constant 6966 : i32
      %add3A_275 = arith.addi %add3A_274, %mul3A_273 : i32
      %get3A_276 = arith.index_cast %add3A_275 : i32 to index
      %get3A_277 = tpu.vector_load %arg6[%get3A_276] {strides = array<i32>} : memref<12900xi32, #tpu.memory_space<vmem>>, vector<16xi32>,
      %mul3A_278 = arith.constant 16 : i32
      %mul3A_279 = arith.muli %scan3A_20, %mul3A_278 : i32
      %add3A_280 = arith.constant 7095 : i32
      %add3A_281 = arith.addi %add3A_280, %mul3A_279 : i32
      %get3A_282 = arith.index_cast %add3A_281 : i32 to index
      %get3A_283 = tpu.vector_load %arg6[%get3A_282] {strides = array<i32>} : memref<12900xi32, #tpu.memory_space<vmem>>, vector<16xi32>,
      %mul3A_284 = arith.constant 16 : i32
      %mul3A_285 = arith.muli %scan3A_20, %mul3A_284 : i32
      %add3A_286 = arith.constant 7224 : i32
      %add3A_287 = arith.addi %add3A_286, %mul3A_285 : i32
      %get3A_288 = arith.index_cast %add3A_287 : i32 to index
      %get3A_289 = tpu.vector_load %arg6[%get3A_288] {strides = array<i32>} : memref<12900xi32, #tpu.memory_space<vmem>>, vector<16xi32>,
      %mul3A_290 = arith.constant 16 : i32
      %mul3A_291 = arith.muli %scan3A_20, %mul3A_290 : i32
      %add3A_292 = arith.constant 7353 : i32
      %add3A_293 = arith.addi %add3A_292, %mul3A_291 : i32
      %get3A_294 = arith.index_cast %add3A_293 : i32 to index
      %get3A_295 = tpu.vector_load %arg6[%get3A_294] {strides = array<i32>} : memref<12900xi32, #tpu.memory_space<vmem>>, vector<16xi32>,
      %mul3A_296 = arith.constant 16 : i32
      %mul3A_297 = arith.muli %scan3A_20, %mul3A_296 : i32
      %add3A_298 = arith.constant 7482 : i32
      %add3A_299 = arith.addi %add3A_298, %mul3A_297 : i32
      %get3A_300 = arith.index_cast %add3A_299 : i32 to index
      %get3A_301 = tpu.vector_load %arg6[%get3A_300] {strides = array<i32>} : memref<12900xi32, #tpu.memory_space<vmem>>, vector<16xi32>,
      %mul3A_302 = arith.constant 16 : i32
      %mul3A_303 = arith.muli %scan3A_20, %mul3A_302 : i32
      %add3A_304 = arith.constant 7740 : i32
      %add3A_305 = arith.addi %add3A_304, %mul3A_303 : i32
      %get3A_306 = arith.index_cast %add3A_305 : i32 to index
      %get3A_307 = tpu.vector_load %arg6[%get3A_306] {strides = array<i32>} : memref<12900xi32, #tpu.memory_space<vmem>>, vector<16xi32>,
      %mul3A_308 = arith.constant 16 : i32
      %mul3A_309 = arith.muli %scan3A_20, %mul3A_308 : i32
      %add3A_310 = arith.constant 7869 : i32
      %add3A_311 = arith.addi %add3A_310, %mul3A_309 : i32
      %get3A_312 = arith.index_cast %add3A_311 : i32 to index
      %get3A_313 = tpu.vector_load %arg6[%get3A_312] {strides = array<i32>} : memref<12900xi32, #tpu.memory_space<vmem>>, vector<16xi32>,
      %mul3A_314 = arith.constant 16 : i32
      %mul3A_315 = arith.muli %scan3A_20, %mul3A_314 : i32
      %add3A_316 = arith.constant 7998 : i32
      %add3A_317 = arith.addi %add3A_316, %mul3A_315 : i32
      %get3A_318 = arith.index_cast %add3A_317 : i32 to index
      %get3A_319 = tpu.vector_load %arg6[%get3A_318] {strides = array<i32>} : memref<12900xi32, #tpu.memory_space<vmem>>, vector<16xi32>,
      %mul3A_320 = arith.constant 16 : i32
      %mul3A_321 = arith.muli %scan3A_20, %mul3A_320 : i32
      %add3A_322 = arith.constant 8127 : i32
      %add3A_323 = arith.addi %add3A_322, %mul3A_321 : i32
      %get3A_324 = arith.index_cast %add3A_323 : i32 to index
      %get3A_325 = tpu.vector_load %arg6[%get3A_324] {strides = array<i32>} : memref<12900xi32, #tpu.memory_space<vmem>>, vector<16xi32>,
      %mul3A_326 = arith.constant 16 : i32
      %mul3A_327 = arith.muli %scan3A_20, %mul3A_326 : i32
      %add3A_328 = arith.constant 8256 : i32
      %add3A_329 = arith.addi %add3A_328, %mul3A_327 : i32
      %get3A_330 = arith.index_cast %add3A_329 : i32 to index
      %get3A_331 = tpu.vector_load %arg6[%get3A_330] {strides = array<i32>} : memref<12900xi32, #tpu.memory_space<vmem>>, vector<16xi32>,
      %mul3A_332 = arith.constant 16 : i32
      %mul3A_333 = arith.muli %scan3A_20, %mul3A_332 : i32
      %add3A_334 = arith.constant 8385 : i32
      %add3A_335 = arith.addi %add3A_334, %mul3A_333 : i32
      %get3A_336 = arith.index_cast %add3A_335 : i32 to index
      %get3A_337 = tpu.vector_load %arg6[%get3A_336] {strides = array<i32>} : memref<12900xi32, #tpu.memory_space<vmem>>, vector<16xi32>,
      %mul3A_338 = arith.constant 16 : i32
      %mul3A_339 = arith.muli %scan3A_20, %mul3A_338 : i32
      %add3A_340 = arith.constant 8643 : i32
      %add3A_341 = arith.addi %add3A_340, %mul3A_339 : i32
      %get3A_342 = arith.index_cast %add3A_341 : i32 to index
      %get3A_343 = tpu.vector_load %arg6[%get3A_342] {strides = array<i32>} : memref<12900xi32, #tpu.memory_space<vmem>>, vector<16xi32>,
      %mul3A_344 = arith.constant 16 : i32
      %mul3A_345 = arith.muli %scan3A_20, %mul3A_344 : i32
      %add3A_346 = arith.constant 8772 : i32
      %add3A_347 = arith.addi %add3A_346, %mul3A_345 : i32
      %get3A_348 = arith.index_cast %add3A_347 : i32 to index
      %get3A_349 = tpu.vector_load %arg6[%get3A_348] {strides = array<i32>} : memref<12900xi32, #tpu.memory_space<vmem>>, vector<16xi32>,
      %mul3A_350 = arith.constant 16 : i32
      %mul3A_351 = arith.muli %scan3A_20, %mul3A_350 : i32
      %add3A_352 = arith.constant 8901 : i32
      %add3A_353 = arith.addi %add3A_352, %mul3A_351 : i32
      %get3A_354 = arith.index_cast %add3A_353 : i32 to index
      %get3A_355 = tpu.vector_load %arg6[%get3A_354] {strides = array<i32>} : memref<12900xi32, #tpu.memory_space<vmem>>, vector<16xi32>,
      %mul3A_356 = arith.constant 16 : i32
      %mul3A_357 = arith.muli %scan3A_20, %mul3A_356 : i32
      %add3A_358 = arith.constant 9030 : i32
      %add3A_359 = arith.addi %add3A_358, %mul3A_357 : i32
      %get3A_360 = arith.index_cast %add3A_359 : i32 to index
      %get3A_361 = tpu.vector_load %arg6[%get3A_360] {strides = array<i32>} : memref<12900xi32, #tpu.memory_space<vmem>>, vector<16xi32>,
      %mul3A_362 = arith.constant 16 : i32
      %mul3A_363 = arith.muli %scan3A_20, %mul3A_362 : i32
      %add3A_364 = arith.constant 9159 : i32
      %add3A_365 = arith.addi %add3A_364, %mul3A_363 : i32
      %get3A_366 = arith.index_cast %add3A_365 : i32 to index
      %get3A_367 = tpu.vector_load %arg6[%get3A_366] {strides = array<i32>} : memref<12900xi32, #tpu.memory_space<vmem>>, vector<16xi32>,
      %mul3A_368 = arith.constant 16 : i32
      %mul3A_369 = arith.muli %scan3A_20, %mul3A_368 : i32
      %add3A_370 = arith.constant 9288 : i32
      %add3A_371 = arith.addi %add3A_370, %mul3A_369 : i32
      %get3A_372 = arith.index_cast %add3A_371 : i32 to index
      %get3A_373 = tpu.vector_load %arg6[%get3A_372] {strides = array<i32>} : memref<12900xi32, #tpu.memory_space<vmem>>, vector<16xi32>,
      %mul3A_374 = arith.constant 16 : i32
      %mul3A_375 = arith.muli %scan3A_20, %mul3A_374 : i32
      %add3A_376 = arith.constant 9546 : i32
      %add3A_377 = arith.addi %add3A_376, %mul3A_375 : i32
      %get3A_378 = arith.index_cast %add3A_377 : i32 to index
      %get3A_379 = tpu.vector_load %arg6[%get3A_378] {strides = array<i32>} : memref<12900xi32, #tpu.memory_space<vmem>>, vector<16xi32>,
      %mul3A_380 = arith.constant 16 : i32
      %mul3A_381 = arith.muli %scan3A_20, %mul3A_380 : i32
      %add3A_382 = arith.constant 9675 : i32
      %add3A_383 = arith.addi %add3A_382, %mul3A_381 : i32
      %get3A_384 = arith.index_cast %add3A_383 : i32 to index
      %get3A_385 = tpu.vector_load %arg6[%get3A_384] {strides = array<i32>} : memref<12900xi32, #tpu.memory_space<vmem>>, vector<16xi32>,
      %mul3A_386 = arith.constant 16 : i32
      %mul3A_387 = arith.muli %scan3A_20, %mul3A_386 : i32
      %add3A_388 = arith.constant 9804 : i32
      %add3A_389 = arith.addi %add3A_388, %mul3A_387 : i32
      %get3A_390 = arith.index_cast %add3A_389 : i32 to index
      %get3A_391 = tpu.vector_load %arg6[%get3A_390] {strides = array<i32>} : memref<12900xi32, #tpu.memory_space<vmem>>, vector<16xi32>,
      %mul3A_392 = arith.constant 16 : i32
      %mul3A_393 = arith.muli %scan3A_20, %mul3A_392 : i32
      %add3A_394 = arith.constant 9933 : i32
      %add3A_395 = arith.addi %add3A_394, %mul3A_393 : i32
      %get3A_396 = arith.index_cast %add3A_395 : i32 to index
      %get3A_397 = tpu.vector_load %arg6[%get3A_396] {strides = array<i32>} : memref<12900xi32, #tpu.memory_space<vmem>>, vector<16xi32>,
      %mul3A_398 = arith.constant 16 : i32
      %mul3A_399 = arith.muli %scan3A_20, %mul3A_398 : i32
      %add3A_400 = arith.constant 10062 : i32
      %add3A_401 = arith.addi %add3A_400, %mul3A_399 : i32
      %get3A_402 = arith.index_cast %add3A_401 : i32 to index
      %get3A_403 = tpu.vector_load %arg6[%get3A_402] {strides = array<i32>} : memref<12900xi32, #tpu.memory_space<vmem>>, vector<16xi32>,
      %mul3A_404 = arith.constant 16 : i32
      %mul3A_405 = arith.muli %scan3A_20, %mul3A_404 : i32
      %add3A_406 = arith.constant 10191 : i32
      %add3A_407 = arith.addi %add3A_406, %mul3A_405 : i32
      %get3A_408 = arith.index_cast %add3A_407 : i32 to index
      %get3A_409 = tpu.vector_load %arg6[%get3A_408] {strides = array<i32>} : memref<12900xi32, #tpu.memory_space<vmem>>, vector<16xi32>,
      %mul3A_410 = arith.constant 16 : i32
      %mul3A_411 = arith.muli %scan3A_20, %mul3A_410 : i32
      %add3A_412 = arith.constant 10449 : i32
      %add3A_413 = arith.addi %add3A_412, %mul3A_411 : i32
      %get3A_414 = arith.index_cast %add3A_413 : i32 to index
      %get3A_415 = tpu.vector_load %arg6[%get3A_414] {strides = array<i32>} : memref<12900xi32, #tpu.memory_space<vmem>>, vector<16xi32>,
      %mul3A_416 = arith.constant 16 : i32
      %mul3A_417 = arith.muli %scan3A_20, %mul3A_416 : i32
      %add3A_418 = arith.constant 10707 : i32
      %add3A_419 = arith.addi %add3A_418, %mul3A_417 : i32
      %get3A_420 = arith.index_cast %add3A_419 : i32 to index
      %get3A_421 = tpu.vector_load %arg6[%get3A_420] {strides = array<i32>} : memref<12900xi32, #tpu.memory_space<vmem>>, vector<16xi32>,
      %mul3A_422 = arith.constant 16 : i32
      %mul3A_423 = arith.muli %scan3A_20, %mul3A_422 : i32
      %add3A_424 = arith.constant 10836 : i32
      %add3A_425 = arith.addi %add3A_424, %mul3A_423 : i32
      %get3A_426 = arith.index_cast %add3A_425 : i32 to index
      %get3A_427 = tpu.vector_load %arg6[%get3A_426] {strides = array<i32>} : memref<12900xi32, #tpu.memory_space<vmem>>, vector<16xi32>,
      %mul3A_428 = arith.constant 16 : i32
      %mul3A_429 = arith.muli %scan3A_20, %mul3A_428 : i32
      %add3A_430 = arith.constant 10965 : i32
      %add3A_431 = arith.addi %add3A_430, %mul3A_429 : i32
      %get3A_432 = arith.index_cast %add3A_431 : i32 to index
      %get3A_433 = tpu.vector_load %arg6[%get3A_432] {strides = array<i32>} : memref<12900xi32, #tpu.memory_space<vmem>>, vector<16xi32>,
      %mul3A_434 = arith.constant 16 : i32
      %mul3A_435 = arith.muli %scan3A_20, %mul3A_434 : i32
      %add3A_436 = arith.constant 11094 : i32
      %add3A_437 = arith.addi %add3A_436, %mul3A_435 : i32
      %get3A_438 = arith.index_cast %add3A_437 : i32 to index
      %get3A_439 = tpu.vector_load %arg6[%get3A_438] {strides = array<i32>} : memref<12900xi32, #tpu.memory_space<vmem>>, vector<16xi32>,
      %mul3A_440 = arith.constant 16 : i32
      %mul3A_441 = arith.muli %scan3A_20, %mul3A_440 : i32
      %add3A_442 = arith.constant 11352 : i32
      %add3A_443 = arith.addi %add3A_442, %mul3A_441 : i32
      %get3A_444 = arith.index_cast %add3A_443 : i32 to index
      %get3A_445 = tpu.vector_load %arg6[%get3A_444] {strides = array<i32>} : memref<12900xi32, #tpu.memory_space<vmem>>, vector<16xi32>,
      %mul3A_446 = arith.constant 16 : i32
      %mul3A_447 = arith.muli %scan3A_20, %mul3A_446 : i32
      %add3A_448 = arith.constant 11610 : i32
      %add3A_449 = arith.addi %add3A_448, %mul3A_447 : i32
      %get3A_450 = arith.index_cast %add3A_449 : i32 to index
      %get3A_451 = tpu.vector_load %arg6[%get3A_450] {strides = array<i32>} : memref<12900xi32, #tpu.memory_space<vmem>>, vector<16xi32>,
      %mul3A_452 = arith.constant 16 : i32
      %mul3A_453 = arith.muli %scan3A_20, %mul3A_452 : i32
      %add3A_454 = arith.constant 11739 : i32
      %add3A_455 = arith.addi %add3A_454, %mul3A_453 : i32
      %get3A_456 = arith.index_cast %add3A_455 : i32 to index
      %get3A_457 = tpu.vector_load %arg6[%get3A_456] {strides = array<i32>} : memref<12900xi32, #tpu.memory_space<vmem>>, vector<16xi32>,
      %mul3A_458 = arith.constant 16 : i32
      %mul3A_459 = arith.muli %scan3A_20, %mul3A_458 : i32
      %add3A_460 = arith.constant 11868 : i32
      %add3A_461 = arith.addi %add3A_460, %mul3A_459 : i32
      %get3A_462 = arith.index_cast %add3A_461 : i32 to index
      %get3A_463 = tpu.vector_load %arg6[%get3A_462] {strides = array<i32>} : memref<12900xi32, #tpu.memory_space<vmem>>, vector<16xi32>,
      %mul3A_464 = arith.constant 16 : i32
      %mul3A_465 = arith.muli %scan3A_20, %mul3A_464 : i32
      %add3A_466 = arith.constant 11997 : i32
      %add3A_467 = arith.addi %add3A_466, %mul3A_465 : i32
      %get3A_468 = arith.index_cast %add3A_467 : i32 to index
      %get3A_469 = tpu.vector_load %arg6[%get3A_468] {strides = array<i32>} : memref<12900xi32, #tpu.memory_space<vmem>>, vector<16xi32>,
      %mul3A_470 = arith.constant 16 : i32
      %mul3A_471 = arith.muli %scan3A_20, %mul3A_470 : i32
      %add3A_472 = arith.constant 12255 : i32
      %add3A_473 = arith.addi %add3A_472, %mul3A_471 : i32
      %get3A_474 = arith.index_cast %add3A_473 : i32 to index
      %get3A_475 = tpu.vector_load %arg6[%get3A_474] {strides = array<i32>} : memref<12900xi32, #tpu.memory_space<vmem>>, vector<16xi32>,
      %mul3A_476 = arith.constant 16 : i32
      %mul3A_477 = arith.muli %scan3A_20, %mul3A_476 : i32
      %add3A_478 = arith.constant 12513 : i32
      %add3A_479 = arith.addi %add3A_478, %mul3A_477 : i32
      %get3A_480 = arith.index_cast %add3A_479 : i32 to index
      %get3A_481 = tpu.vector_load %arg6[%get3A_480] {strides = array<i32>} : memref<12900xi32, #tpu.memory_space<vmem>>, vector<16xi32>,
      %mul3A_482 = arith.constant 16 : i32
      %mul3A_483 = arith.muli %scan3A_20, %mul3A_482 : i32
      %add3A_484 = arith.constant 12642 : i32
      %add3A_485 = arith.addi %add3A_484, %mul3A_483 : i32
      %get3A_486 = arith.index_cast %add3A_485 : i32 to index
      %get3A_487 = tpu.vector_load %arg6[%get3A_486] {strides = array<i32>} : memref<12900xi32, #tpu.memory_space<vmem>>, vector<16xi32>,
      %mul3A_488 = arith.constant 16 : i32
      %mul3A_489 = arith.muli %scan3A_20, %mul3A_488 : i32
      %add3A_490 = arith.constant 12771 : i32
      %add3A_491 = arith.addi %add3A_490, %mul3A_489 : i32
      %get3A_492 = arith.index_cast %add3A_491 : i32 to index
      %get3A_493 = tpu.vector_load %arg6[%get3A_492] {strides = array<i32>} : memref<12900xi32, #tpu.memory_space<vmem>>, vector<16xi32>,
      %and3A = arith.andi %get3A_25, %get3A_79 : vector<16xi32>
      %and3A_494 = arith.andi %and3A, %get3A_151 : vector<16xi32>
      %and3A_495 = arith.andi %and3A_494, %get3A_271 : vector<16xi32>
      %and3A_496 = arith.andi %get3A_55, %get3A_109 : vector<16xi32>
      %and3A_497 = arith.andi %and3A_496, %get3A_187 : vector<16xi32>
      %and3A_498 = arith.andi %and3A_497, %get3A_307 : vector<16xi32>
      %or3A = arith.ori %and3A_495, %and3A_498 : vector<16xi32>
      %and3A_499 = arith.andi %get3A_85, %get3A_139 : vector<16xi32>
      %and3A_500 = arith.andi %and3A_499, %get3A_223 : vector<16xi32>
      %and3A_501 = arith.andi %and3A_500, %get3A_343 : vector<16xi32>
      %or3A_502 = arith.ori %or3A, %and3A_501 : vector<16xi32>
      %and3A_503 = arith.andi %get3A_115, %get3A_175 : vector<16xi32>
      %and3A_504 = arith.andi %and3A_503, %get3A_259 : vector<16xi32>
      %and3A_505 = arith.andi %and3A_504, %get3A_379 : vector<16xi32>
      %or3A_506 = arith.ori %or3A_502, %and3A_505 : vector<16xi32>
      %and3A_507 = arith.andi %get3A_145, %get3A_211 : vector<16xi32>
      %and3A_508 = arith.andi %and3A_507, %get3A_295 : vector<16xi32>
      %and3A_509 = arith.andi %and3A_508, %get3A_415 : vector<16xi32>
      %or3A_510 = arith.ori %or3A_506, %and3A_509 : vector<16xi32>
      %and3A_511 = arith.andi %get3A_181, %get3A_247 : vector<16xi32>
      %and3A_512 = arith.andi %and3A_511, %get3A_331 : vector<16xi32>
      %and3A_513 = arith.andi %and3A_512, %get3A_445 : vector<16xi32>
      %or3A_514 = arith.ori %or3A_510, %and3A_513 : vector<16xi32>
      %and3A_515 = arith.andi %get3A_217, %get3A_283 : vector<16xi32>
      %and3A_516 = arith.andi %and3A_515, %get3A_367 : vector<16xi32>
      %and3A_517 = arith.andi %and3A_516, %get3A_475 : vector<16xi32>
      %or3A_518 = arith.ori %or3A_514, %and3A_517 : vector<16xi32>
      %and3A_519 = arith.andi %get3A_253, %get3A_319 : vector<16xi32>
      %and3A_520 = arith.andi %and3A_519, %get3A_403 : vector<16xi32>
      %and3A_521 = arith.andi %and3A_520, %get3A_31 : vector<16xi32>
      %or3A_522 = arith.ori %or3A_518, %and3A_521 : vector<16xi32>
      %and3A_523 = arith.andi %get3A_289, %get3A_355 : vector<16xi32>
      %and3A_524 = arith.andi %and3A_523, %get3A_433 : vector<16xi32>
      %and3A_525 = arith.andi %and3A_524, %get3A_61 : vector<16xi32>
      %or3A_526 = arith.ori %or3A_522, %and3A_525 : vector<16xi32>
      %and3A_527 = arith.andi %get3A_325, %get3A_391 : vector<16xi32>
      %and3A_528 = arith.andi %and3A_527, %get3A_463 : vector<16xi32>
      %and3A_529 = arith.andi %and3A_528, %get3A_91 : vector<16xi32>
      %or3A_530 = arith.ori %or3A_526, %and3A_529 : vector<16xi32>
      %and3A_531 = arith.andi %get3A_361, %get3A_421 : vector<16xi32>
      %and3A_532 = arith.andi %and3A_531, %get3A_493 : vector<16xi32>
      %and3A_533 = arith.andi %and3A_532, %get3A_121 : vector<16xi32>
      %or3A_534 = arith.ori %or3A_530, %and3A_533 : vector<16xi32>
      %and3A_535 = arith.andi %get3A_397, %get3A_451 : vector<16xi32>
      %and3A_536 = arith.andi %and3A_535, %get3A_49 : vector<16xi32>
      %and3A_537 = arith.andi %and3A_536, %get3A_157 : vector<16xi32>
      %or3A_538 = arith.ori %or3A_534, %and3A_537 : vector<16xi32>
      %and3A_539 = arith.andi %get3A_427, %get3A_481 : vector<16xi32>
      %and3A_540 = arith.andi %and3A_539, %get3A_79 : vector<16xi32>
      %and3A_541 = arith.andi %and3A_540, %get3A_193 : vector<16xi32>
      %or3A_542 = arith.ori %or3A_538, %and3A_541 : vector<16xi32>
      %and3A_543 = arith.andi %get3A_457, %get3A_37 : vector<16xi32>
      %and3A_544 = arith.andi %and3A_543, %get3A_109 : vector<16xi32>
      %and3A_545 = arith.andi %and3A_544, %get3A_229 : vector<16xi32>
      %or3A_546 = arith.ori %or3A_542, %and3A_545 : vector<16xi32>
      %and3A_547 = arith.andi %get3A_487, %get3A_67 : vector<16xi32>
      %and3A_548 = arith.andi %and3A_547, %get3A_139 : vector<16xi32>
      %and3A_549 = arith.andi %and3A_548, %get3A_265 : vector<16xi32>
      %or3A_550 = arith.ori %or3A_546, %and3A_549 : vector<16xi32>
      %and3A_551 = arith.andi %get3A_43, %get3A_97 : vector<16xi32>
      %and3A_552 = arith.andi %and3A_551, %get3A_175 : vector<16xi32>
      %and3A_553 = arith.andi %and3A_552, %get3A_301 : vector<16xi32>
      %or3A_554 = arith.ori %or3A_550, %and3A_553 : vector<16xi32>
      %and3A_555 = arith.andi %get3A_73, %get3A_127 : vector<16xi32>
      %and3A_556 = arith.andi %and3A_555, %get3A_211 : vector<16xi32>
      %and3A_557 = arith.andi %and3A_556, %get3A_337 : vector<16xi32>
      %or3A_558 = arith.ori %or3A_554, %and3A_557 : vector<16xi32>
      %and3A_559 = arith.andi %get3A_103, %get3A_163 : vector<16xi32>
      %and3A_560 = arith.andi %and3A_559, %get3A_247 : vector<16xi32>
      %and3A_561 = arith.andi %and3A_560, %get3A_373 : vector<16xi32>
      %or3A_562 = arith.ori %or3A_558, %and3A_561 : vector<16xi32>
      %and3A_563 = arith.andi %get3A_133, %get3A_199 : vector<16xi32>
      %and3A_564 = arith.andi %and3A_563, %get3A_283 : vector<16xi32>
      %and3A_565 = arith.andi %and3A_564, %get3A_409 : vector<16xi32>
      %or3A_566 = arith.ori %or3A_562, %and3A_565 : vector<16xi32>
      %and3A_567 = arith.andi %get3A_169, %get3A_235 : vector<16xi32>
      %and3A_568 = arith.andi %and3A_567, %get3A_319 : vector<16xi32>
      %and3A_569 = arith.andi %and3A_568, %get3A_439 : vector<16xi32>
      %or3A_570 = arith.ori %or3A_566, %and3A_569 : vector<16xi32>
      %and3A_571 = arith.andi %get3A_205, %get3A_271 : vector<16xi32>
      %and3A_572 = arith.andi %and3A_571, %get3A_355 : vector<16xi32>
      %and3A_573 = arith.andi %and3A_572, %get3A_469 : vector<16xi32>
      %or3A_574 = arith.ori %or3A_570, %and3A_573 : vector<16xi32>
      %and3A_575 = arith.andi %get3A_241, %get3A_307 : vector<16xi32>
      %and3A_576 = arith.andi %and3A_575, %get3A_391 : vector<16xi32>
      %and3A_577 = arith.andi %and3A_576, %get3A_25 : vector<16xi32>
      %or3A_578 = arith.ori %or3A_574, %and3A_577 : vector<16xi32>
      %and3A_579 = arith.andi %get3A_277, %get3A_343 : vector<16xi32>
      %and3A_580 = arith.andi %and3A_579, %get3A_421 : vector<16xi32>
      %and3A_581 = arith.andi %and3A_580, %get3A_55 : vector<16xi32>
      %or3A_582 = arith.ori %or3A_578, %and3A_581 : vector<16xi32>
      %and3A_583 = arith.andi %get3A_313, %get3A_379 : vector<16xi32>
      %and3A_584 = arith.andi %and3A_583, %get3A_451 : vector<16xi32>
      %and3A_585 = arith.andi %and3A_584, %get3A_85 : vector<16xi32>
      %or3A_586 = arith.ori %or3A_582, %and3A_585 : vector<16xi32>
      %and3A_587 = arith.andi %get3A_349, %get3A_415 : vector<16xi32>
      %and3A_588 = arith.andi %and3A_587, %get3A_481 : vector<16xi32>
      %and3A_589 = arith.andi %and3A_588, %get3A_115 : vector<16xi32>
      %or3A_590 = arith.ori %or3A_586, %and3A_589 : vector<16xi32>
      %and3A_591 = arith.andi %get3A_385, %get3A_445 : vector<16xi32>
      %and3A_592 = arith.andi %and3A_591, %get3A_37 : vector<16xi32>
      %and3A_593 = arith.andi %and3A_592, %get3A_145 : vector<16xi32>
      %or3A_594 = arith.ori %or3A_590, %and3A_593 : vector<16xi32>
      %shift_right_logical3A = arith.constant 0 : i32
      %shift_right_logical3A_595 = vector.broadcast %shift_right_logical3A : i32 to vector<16xi32>
      %shift_right_logical3A_596 = arith.shrui %or3A_594, %shift_right_logical3A_595 : vector<16xi32>
      %and3A_597 = arith.constant 1 : i32
      %and3A_598 = vector.broadcast %and3A_597 : i32 to vector<16xi32>
      %and3A_599 = arith.andi %shift_right_logical3A_596, %and3A_598 : vector<16xi32>
      %mul3A_600 = arith.constant 16 : i32
      %mul3A_601 = arith.muli %scan3A_20, %mul3A_600 : i32
      %mul3A_602 = arith.constant 4 : i32
      %mul3A_603 = arith.muli %mul3A_601, %mul3A_602 : i32
      %add3A_604 = arith.constant 0 : i32
      %add3A_605 = arith.addi %mul3A_603, %add3A_604 : i32
      %add3A_606 = vector.broadcast %add3A_605 : i32 to vector<16xi32>
      %add3A_607 = arith.addi %mul3A_8, %add3A_606 : vector<16xi32>
      tpu.vector_store_idx %arg5[%add3A_607], %and3A_599 : memref<512xi32, #tpu.memory_space<vmem>>[vector<16xi32>], vector<16xi32>,
      %shift_right_logical3A_608 = arith.constant 8 : i32
      %shift_right_logical3A_609 = vector.broadcast %shift_right_logical3A_608 : i32 to vector<16xi32>
      %shift_right_logical3A_610 = arith.shrui %or3A_594, %shift_right_logical3A_609 : vector<16xi32>
      %and3A_611 = arith.constant 1 : i32
      %and3A_612 = vector.broadcast %and3A_611 : i32 to vector<16xi32>
      %and3A_613 = arith.andi %shift_right_logical3A_610, %and3A_612 : vector<16xi32>
      %mul3A_614 = arith.constant 16 : i32
      %mul3A_615 = arith.muli %scan3A_20, %mul3A_614 : i32
      %mul3A_616 = arith.constant 4 : i32
      %mul3A_617 = arith.muli %mul3A_615, %mul3A_616 : i32
      %add3A_618 = arith.constant 1 : i32
      %add3A_619 = arith.addi %mul3A_617, %add3A_618 : i32
      %add3A_620 = vector.broadcast %add3A_619 : i32 to vector<16xi32>
      %add3A_621 = arith.addi %mul3A_8, %add3A_620 : vector<16xi32>
      tpu.vector_store_idx %arg5[%add3A_621], %and3A_613 : memref<512xi32, #tpu.memory_space<vmem>>[vector<16xi32>], vector<16xi32>,
      %shift_right_logical3A_622 = arith.constant 16 : i32
      %shift_right_logical3A_623 = vector.broadcast %shift_right_logical3A_622 : i32 to vector<16xi32>
      %shift_right_logical3A_624 = arith.shrui %or3A_594, %shift_right_logical3A_623 : vector<16xi32>
      %and3A_625 = arith.constant 1 : i32
      %and3A_626 = vector.broadcast %and3A_625 : i32 to vector<16xi32>
      %and3A_627 = arith.andi %shift_right_logical3A_624, %and3A_626 : vector<16xi32>
      %mul3A_628 = arith.constant 16 : i32
      %mul3A_629 = arith.muli %scan3A_20, %mul3A_628 : i32
      %mul3A_630 = arith.constant 4 : i32
      %mul3A_631 = arith.muli %mul3A_629, %mul3A_630 : i32
      %add3A_632 = arith.constant 2 : i32
      %add3A_633 = arith.addi %mul3A_631, %add3A_632 : i32
      %add3A_634 = vector.broadcast %add3A_633 : i32 to vector<16xi32>
      %add3A_635 = arith.addi %mul3A_8, %add3A_634 : vector<16xi32>
      tpu.vector_store_idx %arg5[%add3A_635], %and3A_627 : memref<512xi32, #tpu.memory_space<vmem>>[vector<16xi32>], vector<16xi32>,
      %shift_right_logical3A_636 = arith.constant 24 : i32
      %shift_right_logical3A_637 = vector.broadcast %shift_right_logical3A_636 : i32 to vector<16xi32>
      %shift_right_logical3A_638 = arith.shrui %or3A_594, %shift_right_logical3A_637 : vector<16xi32>
      %and3A_639 = arith.constant 1 : i32
      %and3A_640 = vector.broadcast %and3A_639 : i32 to vector<16xi32>
      %and3A_641 = arith.andi %shift_right_logical3A_638, %and3A_640 : vector<16xi32>
      %mul3A_642 = arith.constant 16 : i32
      %mul3A_643 = arith.muli %scan3A_20, %mul3A_642 : i32
      %mul3A_644 = arith.constant 4 : i32
      %mul3A_645 = arith.muli %mul3A_643, %mul3A_644 : i32
      %add3A_646 = arith.constant 3 : i32
      %add3A_647 = arith.addi %mul3A_645, %add3A_646 : i32
      %add3A_648 = vector.broadcast %add3A_647 : i32 to vector<16xi32>
      %add3A_649 = arith.addi %mul3A_8, %add3A_648 : vector<16xi32>
      tpu.vector_store_idx %arg5[%add3A_649], %and3A_641 : memref<512xi32, #tpu.memory_space<vmem>>[vector<16xi32>], vector<16xi32>,
    }
    %scan3A_17 = arith.constant 8 : i32
    %mul3A_18 = arith.constant 512 : i32
    %mul3A_19 = arith.muli %add3A, %mul3A_18 : i32
    "tpu.region"() ({
      %run_scoped3A = tpu.sem_alloc : memref<!tpu.dma_semaphore, #tpu.memory_space<semaphore_mem>>
      %dma_start3A = tpu.memref_slice %arg3[%mul3A_19] : memref<16384xi32, #tpu.memory_space<hbm>> -> memref<512xi32, #tpu.memory_space<hbm>>
      %dma_start3A_20 = tpu.memref_slice %arg3[%mul3A_19] : memref<16384xi32, #tpu.memory_space<hbm>> -> memref<512xi32, #tpu.memory_space<hbm>>
      tpu.enqueue_dma source(%arg5 : memref<512xi32, #tpu.memory_space<vmem>>) target(%dma_start3A_20 : memref<512xi32, #tpu.memory_space<hbm>>) target_semaphore(%run_scoped3A : memref<!tpu.dma_semaphore, #tpu.memory_space<semaphore_mem>>)
      %dma_wait3A = tpu.memref_slice %arg3[%mul3A_19] : memref<16384xi32, #tpu.memory_space<hbm>> -> memref<512xi32, #tpu.memory_space<hbm>>
      %dma_wait3A_21 = tpu.memref_slice %arg3[%mul3A_19] : memref<16384xi32, #tpu.memory_space<hbm>> -> memref<512xi32, #tpu.memory_space<hbm>>
      tpu.wait_dma2 semaphore(%run_scoped3A : memref<!tpu.dma_semaphore, #tpu.memory_space<semaphore_mem>>) src(%arg5 : memref<512xi32, #tpu.memory_space<vmem>>) dst(%dma_wait3A_21 : memref<512xi32, #tpu.memory_space<hbm>>)
      tpu.yield
    }) : () -> ()
    return
  }
}

</mosaic_0001>

<sc_bundles>
// kernel: kernel.3.cloned.1.call-start
scs
__scs_entry_jumppad:
0x0: {  	(pc) =	sbr.rel $0x88, $3  }
0x1: {  	(tag) =	ssettag $0x0;
	lr =	simm.s32 $0x1  }
0x2: {  	[smem:$0x3FA0] =	sst lr;
	_ =	strace $0xD0000000  }
0x3: {  	_ = 	snop  }
0x4: {  	_ = 	snop  }
0x5: {  	_ = 	snop  }
0x6: {  	_ = 	snop  }
0x7: {  	_ = 	snop  }
__scs_overlays_trampoline_lowered:
0x8: {  	[smem:$0x3FAF] =	sst s0  }
0x9: {  	[smem:$0x3FB0] =	sst s1  }
0xa: {  	[smem:$0x3FB1] =	sst s2  }
0xb: {  	[smem:$0x3FB2] =	sst s3  }
0xc: {  	[smem:$0x3FB3] =	sst s4  }
0xd: {  	[smem:$0x3FB4] =	sst s5  }
0xe: {  	[smem:$0x3FB5] =	sst s6  }
0xf: {  	[smem:$0x3FB6] =	sst s7  }
0x10: {  	[smem:$0x3FB7] =	sst s8  }
0x11: {  	[smem:$0x3FB8] =	sst s9;
	s0 =	simm.s32 @!p0 $0x0  }
0x12: {  	s1 =	sld [smem:$0x3F9E];
	s0 =	simm.s32 @p0 $0x1  }
0x13: {  	[smem:$0x3FB9] =	sst s0;
	s0 =	simm.s32 @!p1 $0x0  }
0x14: {  	s2 =	sld [smem:$0x3F9D];
	s0 =	simm.s32 @p1 $0x1  }
0x15: {  	[smem:$0x3FBA] =	sst s0;
	s0 =	simm.s32 @!p2 $0x0  }
0x16: {  	s3 =	sld [smem:$0x3FDB];
	s0 =	simm.s32 @p2 $0x1  }
0x17: {  	s4 =	simm.s32 $0x1BF5;
	[smem:$0x3FBC] =	sst s0  }
0x18: {  	s0 =	sld [smem:$0x3F9F];
	_ =	swait.ge [sflag:s4], $0x0  }
0x19: {  	s7 =	sld [smem:$0x3FA0]  }
0x1a: {  	s8 =	sadd.s32 $0xFFFFE003, lr  }
0x1b: {  	s9 =	sadd.s32 $0xFFFFFEF7, lr;
	s5 =	simm.s32 $0xFFFFFFFF;
	p2 =	slt.u32 s8, $0xFFFFF086  }
0x1c: {  	p1 =	slt.u32 s9, $0xF7A;
	s5 =	simm.s32 @!p2 $0x0  }
0x1d: {  	s5 =	simm.s32 @p1 $0x1;
	p0 =	seq.s32 s7, s2  }
0x1e: {  	s7 =	smul.u32 @!p0 $0xF7A, s2;
	p2 =	seq.s32 @!p0 s5, $0x0  }
0x1f: {  	s9 =	smul.u32 $0xF7A, s1;
	s8 =	simm.s32 @!p0 $0x1BF5;
	p2 =	por !p2, p0  }
0x20: {  	[sflag:s8] =	ssyncset.s32 @!p0 $0xFFFFF086;
	s6 =	sadd.s32 @!p0 s3, s7;
	s7 =	simm.s32 @!p0 $0x108  }
0x21: {  	s3 =	sadd.s32 s3, s9;
	s6 =	sadd.s32 @!p0 $0x88, s6;
	s7 =	simm.s32 @p2 $0x1082  }
0x22: {  	[simem:s7], [sflag:s8] =	dma.local @!p0 [hbm:s6], $0xF7A  }
0x23: {  	s9 =	sor.u32 $0xD0000000, s2;
	s6 =	simm.s32 $0x108;
	_ =	swait.ge @!p0 [sflag:s8], $0x0  }
0x24: {  	s3 =	sadd.s32 $0x88, s3;
	s6 =	simm.s32 @!p1 $0x1082;
	[sflag:s4] =	ssyncset.s32 $0xFFFFF086  }
0x25: {  	[simem:s6], [sflag:s4] =	dma.local [hbm:s3], $0xF7A  }
0x26: {  	[smem:$0x3FA0] =	sst s1;
	(tag) =	ssettag s2;
	_ =	strace s9  }
0x27: {  	s1 =	sld [smem:$0x3FB0]  }
0x28: {  	s2 =	sld [smem:$0x3FB1]  }
0x29: {  	s4 =	sld [smem:$0x3FB3]  }
0x2a: {  	p0 =	seq.s32 s5, $0x0;
	s5 =	sld [smem:$0x3FB4]  }
0x2b: {  	s6 =	sld [smem:$0x3FB5]  }
0x2c: {  	s7 =	sld [smem:$0x3FB6]  }
0x2d: {  	s3 =	simm.s32 $0x108;
	s8 =	sld [smem:$0x3FB7]  }
0x2e: {  	s3 =	simm.s32 @!p0 $0x1082;
	s9 =	sld [smem:$0x3FB8]  }
0x2f: {  	lr =	sadd.s32 s0, s3;
	s0 =	sld [smem:$0x3FAF]  }
0x30: {  	s3 =	sld [smem:$0x3FB2]  }
0x31: {  	[smem:$0x3FBB] =	sst s10  }
0x32: {  	s10 =	sld [smem:$0x3FB9];
	_ =	sdelay $0x3  }
0x33: {  	p0 =	seq.s32 s10, $0x1;
	s10 =	sld [smem:$0x3FBB];
	_ =	sdelay $0x3  }
0x34: {  	[smem:$0x3FBB] =	sst s10  }
0x35: {  	s10 =	sld [smem:$0x3FBA];
	_ =	sdelay $0x3  }
0x36: {  	p1 =	seq.s32 s10, $0x1;
	s10 =	sld [smem:$0x3FBB];
	_ =	sdelay $0x3  }
0x37: {  	[smem:$0x3FBB] =	sst s10  }
0x38: {  	s10 =	sld [smem:$0x3FBC]  }
0x39: {  	_ = 	snop;
	(pc) =	sbr.ind lr, $3  }
0x3a: {  	_ = 	snop  }
0x3b: {  	_ = 	snop  }
0x3c: {  	p2 =	seq.s32 s10, $0x1;
	s10 =	sld [smem:$0x3FBB]  }
0x3d: {  	_ =	shalt  }
0x3e: {  	_ =	shalt  }
0x3f: {  	_ =	shalt  }
0x40: {  	_ =	shalt  }
0x41: {  	_ =	shalt  }
0x42: {  	_ =	shalt  }
0x43: {  	_ =	shalt  }
0x44: {  	_ =	shalt  }
0x45: {  	_ =	shalt  }
0x46: {  	_ =	shalt  }
0x47: {  	_ =	shalt  }
0x48: {  	_ =	shalt  }
0x49: {  	_ =	shalt  }
0x4a: {  	_ =	shalt  }
0x4b: {  	_ =	shalt  }
0x4c: {  	_ =	shalt  }
0x4d: {  	_ =	shalt  }
0x4e: {  	_ =	shalt  }
0x4f: {  	_ =	shalt  }
0x50: {  	_ =	shalt  }
0x51: {  	_ =	shalt  }
0x52: {  	_ =	shalt  }
0x53: {  	_ =	shalt  }
0x54: {  	_ =	shalt  }
0x55: {  	_ =	shalt  }
0x56: {  	_ =	shalt  }
0x57: {  	_ =	shalt  }
0x58: {  	_ =	shalt  }
0x59: {  	_ =	shalt  }
0x5a: {  	_ =	shalt  }
0x5b: {  	_ =	shalt  }
0x5c: {  	_ =	shalt  }
0x5d: {  	_ =	shalt  }
0x5e: {  	_ =	shalt  }
0x5f: {  	_ =	shalt  }
0x60: {  	_ =	shalt  }
0x61: {  	_ =	shalt  }
0x62: {  	_ =	shalt  }
0x63: {  	_ =	shalt  }
0x64: {  	_ =	shalt  }
0x65: {  	_ =	shalt  }
0x66: {  	_ =	shalt  }
0x67: {  	_ =	shalt  }
0x68: {  	_ =	shalt  }
0x69: {  	_ =	shalt  }
0x6a: {  	_ =	shalt  }
0x6b: {  	_ =	shalt  }
0x6c: {  	_ =	shalt  }
0x6d: {  	_ =	shalt  }
0x6e: {  	_ =	shalt  }
0x6f: {  	_ =	shalt  }
0x70: {  	_ =	shalt  }
0x71: {  	_ =	shalt  }
0x72: {  	_ =	shalt  }
0x73: {  	_ =	shalt  }
0x74: {  	_ =	shalt  }
0x75: {  	_ =	shalt  }
0x76: {  	_ =	shalt  }
0x77: {  	_ =	shalt  }
0x78: {  	_ =	shalt  }
0x79: {  	_ =	shalt  }
0x7a: {  	_ =	shalt  }
0x7b: {  	_ =	shalt  }
0x7c: {  	_ =	shalt  }
0x7d: {  	_ =	shalt  }
0x7e: {  	_ =	shalt  }
0x7f: {  	_ =	shalt  }
0x80: {  	_ =	shalt  }
0x81: {  	_ =	shalt  }
0x82: {  	_ =	shalt  }
0x83: {  	_ =	shalt  }
0x84: {  	_ =	shalt  }
0x85: {  	_ =	shalt  }
0x86: {  	_ =	shalt  }
0x87: {  	_ =	shalt  }
.Lfunc_end0:
.L_simem_size_0:
called_computation_lowered:
.L_overlay_start_0:
0x88: {  	s2 =	sld [smem:$0x3FD9]  }
0x89: {  	s3 =	sld [smem:$0x3FFE];
	_ =	sdelay $0x1  }
0x8a: {  	s1 =	srdreg.scid  }
0x8b: {  	s0 =	sand.u32 $0x1, s1  }
0x8c: {  	s16 =	sshll.u32 s0, $0xA;
	s2 =	sadd.s32 s3, s2  }
0x8d: {  	s2 =	sadd.s32 s2, s16  }
0x8e: {  	[smem:$0x3FC7] =	sst s2  }
0x8f: {  	_ = 	snop  }
0x90: {  	(tm) =	ssettm $0x1  }
0x91: {  	s17 =	sld [smem:$0x3FFB];
	_ =	sdelay $0x3  }
0x92: {  	_ =	strace s17  }
0x93: {  	s2 =	sld [smem:$0x3FFC];
	_ =	sdelay $0x3  }
0x94: {  	_ =	strace s2  }
0x95: {  	s2 =	sld [smem:$0x3FFD];
	_ =	sdelay $0x3  }
0x96: {  	_ =	strace s2  }
0x97: {  	_ =	strace $0x8FFFFFFF  }
0x98: {  	s18 =	sld [smem:$0x3FDB];
	_ =	sdelay $0x1  }
0x99: {  	s19 =	simm.s32 $_scs_section_size  }
0x9a: {  	s4 =	simm.s32 $_size__tile_overlayer_lowered;
	s5 =	simm.s32 $_tile_overlayer_lowered  }
0x9b: {  	s22 =	simm.s32 $0x1BFF;
	s21 =	sshll.u32 s5, $0x1;
	s2 =	sadd.s32 s19, s18  }
0x9c: {  	s6 =	simm.s32 $0x0;
	s20 =	sshll.u32 s4, $0x1;
	s4 =	sadd.s32 s21, s2  }
0x9d: {  	[timem:s6], [sflag:s22] =	dma.local [hbm:s4], s20  }
0x9e: {  	_ =	swait.ge [sflag:s22], s20  }
0x9f: {  	s3 =	ssub.s32 $0x0, s20;
	[sflag:s22] =	ssyncset.done $0x0  }
0xa0: {  	[sflag:s22] =	ssyncadd.s32 s3;
	_ =	sdelay $0x1  }
0xa1: {  	s23 =	simm.s32 $0x1B8B  }
0xa2: {  	_ =	swait.ge [sflag:s23], $0x1  }
0xa3: {  	[sflag:s23] =	ssyncset.done $0x0  }
0xa4: {  	s25 =	simm.s32 $0x1B8E;
	s24 =	sld [smem:$0x3FFE];
	[sflag:s23] =	ssyncadd.s32 $0xFFFFFFFF  }
0xa5: {  	s26 =	simm.s32 $execute0_lowered;
	[smem:$0x3FD2] =	sst s25  }
0xa6: {  	s4 =	sshll.u32 s26, $0x1;
	_ =	strace $0x80000046;
	[dreg:$0x1] =	wrdreg $0xFFFFFFFF  }
0xa7: {  	s28 =	simm.s32 $_size_execute0_lowered;
	s2 =	sadd.s32 s2, s4;
	[dreg:$0x0] =	wrdreg $0x0  }
0xa8: {  	s4 =	sshll.u32 s28, $0x1;
	[dreg:$0x2] =	wrdreg s2  }
0xa9: {  	[dreg:$0x3] =	wrdreg s4  }
0xaa: {  	[dreg:$0x4] =	wrdreg $0xC0  }
0xab: {  	_ =	task [dreg:s6], $0x5FFFF  }
0xac: {  	[dreg:$0x1] =	wrdreg $0xFFFFFFFF  }
0xad: {  	[dreg:$0x0] =	wrdreg $0x60  }
0xae: {  	[dreg:$0x2] =	wrdreg s24  }
0xaf: {  	[dreg:$0x3] =	wrdreg $0x9  }
0xb0: {  	_ =	task.clear_ibuf [dreg:s6], $0x4FFFF;
	_ =	strace $0x90000046  }
0xb1: {  	s29 =	simm.s32 $0x9;
	_ =	strace $0x80000048  }
0xb2: {  	_ =	swait.ge [sflag:s29], $0x1  }
0xb3: {  	[sflag:s29] =	ssyncadd.s32 $0xFFFFFFFF  }
0xb4: {  	_ =	strace $0x90000048  }
0xb5: {  	_ =	sfence  }
0xb6: {  	s30 =	sld [smem:$0x0];
	_ =	sdelay $0x2  }
0xb7: {  	s31 =	sshll.u32 s1, $0xD;
	s1 =	sshrl.u32 s1, $0x2  }
0xb8: {  	s3 =	sand.u32 $0x4000, s31;
	s1 =	sadd.s32 s1, s30  }
0xb9: {  	s0 =	sor.u32 s3, s0;
	s1 =	sshll.u32 s1, $0x11  }
0xba: {  	s0 =	sor.u32 s1, s0  }
0xbb: {  	s0 =	sadd.s32 $0x8F2B, s0  }
0xbc: {  	[sflag:s0] =	ssyncadd.remote.s32 $0x1  }
0xbd: {  	_ =	sfence.sel $0xFFFF  }
0xbe: {  	[dreg:$0x0] =	wrdreg $0xFFFFFFFF;
	(pc) =	sbr.abs _section_cstart, $3  }
0xbf: {  	[dreg:$0x1] =	wrdreg $0xFFFFFFFF  }
0xc0: {  	_ =	task.clear_ibuf [dreg:s6], $0x2FFFF;
	_ =	strace $0x9FFFFFFF  }
0xc1: {  	(tm) =	ssettm $0x7FFFFFFF  }
tec
execute0_lowered:
.L_overlay_start_1:
0x0: {  	(tag) =	ssettag $0x1  }
0x1: {  	s3 =	rddreg [dreg:$0x0]  }
0x2: {  	s0 =	rddreg [dreg:$0x1];
	s4 =	srdreg.scid  }
0x3: {  	s1 =	stileid.u32;
	s2 =	simm.s32 $0x0;
	s8 =	simm.s32 $0x4000  }
0x4: {  	s4 =	sand.u32 $0x1, s4;
	s5 =	sshll.u32 s1, $0x1;
	[smem:$0x7FF] =	sst s2  }
0x5: {  	s9 =	simm.s32 $0x0;
	s5 =	sor.u32 s4, s5;
	_ =	strace $0x80000047  }
0x6: {  	s4 =	ssub.s32 $0x2, s4;
	s6 =	sshll.u32 s5, $0xB;
	s5 =	sshll.u32 s5, $0x6  }
0x7: {  	s7 =	sshrl.u32 s4, $0x1;
	s6 =	sadd.s32 s6, s3;
	s5 =	sadd.s32 s5, s3  }
0x8: {  	v1 =	vlaneseq.u32;
	s7 =	ssub.s32 s4, s7;
	s3 =	sadd.s32 $0x400, s6;
	s4 =	sadd.s32 $0x10400, s5  }
0x9: {  	v0 =	vmul.u32 $0x81, v1;
	v1 =	vmul.u32 $0x4, v1;
	s5 =	smax.u32 s7, $0x1;
	s6 =	simm.s32 $0x1;
	s7 =	simm.s32 $0x4200  }
.LBB2_1:
0xa: {  	[tilespmem:s2], [sflag:$0x1] =	stream.linear.gather [hbm4b:s3+s2], $0x4000, $0x38;
	[tilespmem:$0x7480] =	vst v63  }
0xb: {  	_ =	swait.ge [sflag:s6], $0x4000  }
0xc: {  	[sflag:s6] =	ssyncset.done $0x0  }
0xd: {  	s10 =	simm.s32 $0x0;
	[sflag:s6] =	ssyncadd.s32 $0xFFFFC000  }
.LBB2_2:
0xe: {  	s12 =	sshll.u32 s10, $0xB  }
0xf: {  	s11 =	sshll.u32 s10, $0x4;
	s12 =	sand.u32 $0x3FFFF800, s12  }
0x10: {  	v3 =	vor.u32 s11, v0;
	v2 =	vld [tilespmem:s12+$0x0];
	_ =	sdelay $0x4  }
0x11: {  	s13 =	sadd.s32 $0x810, s11;
	[tilespmem:v3+s7+$0x0] =	vst.idx.msk $0xffff, v2  }
0x12: {  	v3 =	vadd.s32 s13, v0;
	v2 =	vld [tilespmem:s12+$0x10];
	_ =	sdelay $0x4  }
0x13: {  	s26 =	sadd.s32 $0x1020, s11;
	[tilespmem:v3+s7+$0x0] =	vst.idx.msk $0xffff, v2  }
0x14: {  	v3 =	vadd.s32 s26, v0;
	v2 =	vld [tilespmem:s12+$0x20];
	_ =	sdelay $0x4  }
0x15: {  	s28 =	sadd.s32 $0x1830, s11;
	[tilespmem:v3+s7+$0x0] =	vst.idx.msk $0xffff, v2  }
0x16: {  	v3 =	vadd.s32 s28, v0;
	v2 =	vld [tilespmem:s12+$0x30];
	_ =	sdelay $0x4  }
0x17: {  	s29 =	sadd.s32 $0x2040, s11;
	[tilespmem:v3+s7+$0x0] =	vst.idx.msk $0xffff, v2  }
0x18: {  	v3 =	vadd.s32 s29, v0;
	v2 =	vld [tilespmem:s12+$0x40];
	_ =	sdelay $0x4  }
0x19: {  	s30 =	sadd.s32 $0x2850, s11;
	[tilespmem:v3+s7+$0x0] =	vst.idx.msk $0xffff, v2  }
0x1a: {  	v3 =	vadd.s32 s30, v0;
	v2 =	vld [tilespmem:s12+$0x50];
	_ =	sdelay $0x4  }
0x1b: {  	s31 =	sadd.s32 $0x2A54, s11;
	[tilespmem:v3+s7+$0x0] =	vst.idx.msk $0xffff, v2  }
0x1c: {  	v3 =	vadd.s32 s31, v0;
	v2 =	vld [tilespmem:s12+$0x54];
	_ =	sdelay $0x2  }
0x1d: {  	s14 =	sor.u32 $0x1, s11  }
0x1e: {  	s15 =	sshll.u32 s14, $0x7  }
0x1f: {  	s13 =	sand.u32 $0x3FFFF880, s15;
	[tilespmem:v3+s7+$0x0] =	vst.idx.msk $0xffff, v2  }
0x20: {  	v3 =	vadd.s32 s14, v0;
	v2 =	vld [tilespmem:s13+$0x0];
	_ =	sdelay $0x4  }
0x21: {  	s16 =	sadd.s32 $0x811, s11;
	[tilespmem:v3+s7+$0x0] =	vst.idx.msk $0xffff, v2  }
0x22: {  	v3 =	vadd.s32 s16, v0;
	v2 =	vld [tilespmem:s13+$0x10];
	_ =	sdelay $0x4  }
0x23: {  	s17 =	sadd.s32 $0x1021, s11;
	[tilespmem:v3+s7+$0x0] =	vst.idx.msk $0xffff, v2  }
0x24: {  	v3 =	vadd.s32 s17, v0;
	v2 =	vld [tilespmem:s13+$0x20];
	_ =	sdelay $0x4  }
0x25: {  	s18 =	sadd.s32 $0x1831, s11;
	[tilespmem:v3+s7+$0x0] =	vst.idx.msk $0xffff, v2  }
0x26: {  	v3 =	vadd.s32 s18, v0;
	v2 =	vld [tilespmem:s13+$0x30];
	_ =	sdelay $0x4  }
0x27: {  	s19 =	sadd.s32 $0x2041, s11;
	[tilespmem:v3+s7+$0x0] =	vst.idx.msk $0xffff, v2  }
0x28: {  	v3 =	vadd.s32 s19, v0;
	v2 =	vld [tilespmem:s13+$0x40];
	_ =	sdelay $0x4  }
0x29: {  	s20 =	sadd.s32 $0x2851, s11;
	[tilespmem:v3+s7+$0x0] =	vst.idx.msk $0xffff, v2  }
0x2a: {  	v3 =	vadd.s32 s20, v0;
	v2 =	vld [tilespmem:s13+$0x50];
	_ =	sdelay $0x4  }
0x2b: {  	s21 =	sadd.s32 $0x2A55, s11;
	[tilespmem:v3+s7+$0x0] =	vst.idx.msk $0xffff, v2  }
0x2c: {  	v3 =	vadd.s32 s21, v0;
	v2 =	vld [tilespmem:s13+$0x54];
	_ =	sdelay $0x2  }
0x2d: {  	s22 =	sor.u32 $0x2, s11  }
0x2e: {  	s23 =	sshll.u32 s22, $0x7  }
0x2f: {  	s13 =	sand.u32 $0x3FFFF900, s23;
	[tilespmem:v3+s7+$0x0] =	vst.idx.msk $0xffff, v2  }
0x30: {  	v3 =	vadd.s32 s22, v0;
	v2 =	vld [tilespmem:s13+$0x0];
	_ =	sdelay $0x4  }
0x31: {  	s24 =	sadd.s32 $0x812, s11;
	[tilespmem:v3+s7+$0x0] =	vst.idx.msk $0xffff, v2  }
0x32: {  	v3 =	vadd.s32 s24, v0;
	v2 =	vld [tilespmem:s13+$0x10];
	_ =	sdelay $0x4  }
0x33: {  	s25 =	sadd.s32 $0x1022, s11;
	[tilespmem:v3+s7+$0x0] =	vst.idx.msk $0xffff, v2  }
0x34: {  	v3 =	vadd.s32 s25, v0;
	v2 =	vld [tilespmem:s13+$0x20];
	_ =	sdelay $0x4  }
0x35: {  	s26 =	sadd.s32 $0x1832, s11;
	[tilespmem:v3+s7+$0x0] =	vst.idx.msk $0xffff, v2  }
0x36: {  	v3 =	vadd.s32 s26, v0;
	v2 =	vld [tilespmem:s13+$0x30];
	_ =	sdelay $0x4  }
0x37: {  	s28 =	sadd.s32 $0x2042, s11;
	[tilespmem:v3+s7+$0x0] =	vst.idx.msk $0xffff, v2  }
0x38: {  	v3 =	vadd.s32 s28, v0;
	v2 =	vld [tilespmem:s13+$0x40];
	_ =	sdelay $0x4  }
0x39: {  	s29 =	sadd.s32 $0x2852, s11;
	[tilespmem:v3+s7+$0x0] =	vst.idx.msk $0xffff, v2  }
0x3a: {  	v3 =	vadd.s32 s29, v0;
	v2 =	vld [tilespmem:s13+$0x50];
	_ =	sdelay $0x4  }
0x3b: {  	s30 =	sadd.s32 $0x2A56, s11;
	[tilespmem:v3+s7+$0x0] =	vst.idx.msk $0xffff, v2  }
0x3c: {  	v3 =	vadd.s32 s30, v0;
	v2 =	vld [tilespmem:s13+$0x54];
	_ =	sdelay $0x2  }
0x3d: {  	s31 =	sor.u32 $0x3, s11  }
0x3e: {  	s14 =	sshll.u32 s31, $0x7  }
0x3f: {  	s13 =	sand.u32 $0x3FFFF980, s14;
	[tilespmem:v3+s7+$0x0] =	vst.idx.msk $0xffff, v2  }
0x40: {  	v3 =	vadd.s32 s31, v0;
	v2 =	vld [tilespmem:s13+$0x0];
	_ =	sdelay $0x4  }
0x41: {  	s15 =	sadd.s32 $0x813, s11;
	[tilespmem:v3+s7+$0x0] =	vst.idx.msk $0xffff, v2  }
0x42: {  	v3 =	vadd.s32 s15, v0;
	v2 =	vld [tilespmem:s13+$0x10];
	_ =	sdelay $0x4  }
0x43: {  	s16 =	sadd.s32 $0x1023, s11;
	[tilespmem:v3+s7+$0x0] =	vst.idx.msk $0xffff, v2  }
0x44: {  	v3 =	vadd.s32 s16, v0;
	v2 =	vld [tilespmem:s13+$0x20];
	_ =	sdelay $0x4  }
0x45: {  	s17 =	sadd.s32 $0x1833, s11;
	[tilespmem:v3+s7+$0x0] =	vst.idx.msk $0xffff, v2  }
0x46: {  	v3 =	vadd.s32 s17, v0;
	v2 =	vld [tilespmem:s13+$0x30];
	_ =	sdelay $0x4  }
0x47: {  	s18 =	sadd.s32 $0x2043, s11;
	[tilespmem:v3+s7+$0x0] =	vst.idx.msk $0xffff, v2  }
0x48: {  	v3 =	vadd.s32 s18, v0;
	v2 =	vld [tilespmem:s13+$0x40];
	_ =	sdelay $0x4  }
0x49: {  	s19 =	sadd.s32 $0x2853, s11;
	[tilespmem:v3+s7+$0x0] =	vst.idx.msk $0xffff, v2  }
0x4a: {  	v3 =	vadd.s32 s19, v0;
	v2 =	vld [tilespmem:s13+$0x50];
	_ =	sdelay $0x4  }
0x4b: {  	s20 =	sadd.s32 $0x2A57, s11;
	[tilespmem:v3+s7+$0x0] =	vst.idx.msk $0xffff, v2  }
0x4c: {  	v3 =	vadd.s32 s20, v0;
	v2 =	vld [tilespmem:s13+$0x54];
	_ =	sdelay $0x2  }
0x4d: {  	s21 =	sor.u32 $0x4, s11  }
0x4e: {  	s22 =	sshll.u32 s21, $0x7  }
0x4f: {  	s13 =	sand.u32 $0x3FFFFA00, s22;
	[tilespmem:v3+s7+$0x0] =	vst.idx.msk $0xffff, v2  }
0x50: {  	v3 =	vadd.s32 s21, v0;
	v2 =	vld [tilespmem:s13+$0x0];
	_ =	sdelay $0x4  }
0x51: {  	s23 =	sadd.s32 $0x814, s11;
	[tilespmem:v3+s7+$0x0] =	vst.idx.msk $0xffff, v2  }
0x52: {  	v3 =	vadd.s32 s23, v0;
	v2 =	vld [tilespmem:s13+$0x10];
	_ =	sdelay $0x4  }
0x53: {  	s24 =	sadd.s32 $0x1024, s11;
	[tilespmem:v3+s7+$0x0] =	vst.idx.msk $0xffff, v2  }
0x54: {  	v3 =	vadd.s32 s24, v0;
	v2 =	vld [tilespmem:s13+$0x20];
	_ =	sdelay $0x4  }
0x55: {  	s25 =	sadd.s32 $0x1834, s11;
	[tilespmem:v3+s7+$0x0] =	vst.idx.msk $0xffff, v2  }
0x56: {  	v3 =	vadd.s32 s25, v0;
	v2 =	vld [tilespmem:s13+$0x30];
	_ =	sdelay $0x4  }
0x57: {  	s26 =	sadd.s32 $0x2044, s11;
	[tilespmem:v3+s7+$0x0] =	vst.idx.msk $0xffff, v2  }
0x58: {  	v3 =	vadd.s32 s26, v0;
	v2 =	vld [tilespmem:s13+$0x40];
	_ =	sdelay $0x4  }
0x59: {  	s28 =	sadd.s32 $0x2854, s11;
	[tilespmem:v3+s7+$0x0] =	vst.idx.msk $0xffff, v2  }
0x5a: {  	v3 =	vadd.s32 s28, v0;
	v2 =	vld [tilespmem:s13+$0x50];
	_ =	sdelay $0x4  }
0x5b: {  	s29 =	sadd.s32 $0x2A58, s11;
	[tilespmem:v3+s7+$0x0] =	vst.idx.msk $0xffff, v2  }
0x5c: {  	v3 =	vadd.s32 s29, v0;
	v2 =	vld [tilespmem:s13+$0x54];
	_ =	sdelay $0x2  }
0x5d: {  	s30 =	sor.u32 $0x5, s11  }
0x5e: {  	s31 =	sshll.u32 s30, $0x7  }
0x5f: {  	s13 =	sand.u32 $0x3FFFFA80, s31;
	[tilespmem:v3+s7+$0x0] =	vst.idx.msk $0xffff, v2  }
0x60: {  	v3 =	vadd.s32 s30, v0;
	v2 =	vld [tilespmem:s13+$0x0];
	_ =	sdelay $0x4  }
0x61: {  	s14 =	sadd.s32 $0x815, s11;
	[tilespmem:v3+s7+$0x0] =	vst.idx.msk $0xffff, v2  }
0x62: {  	v3 =	vadd.s32 s14, v0;
	v2 =	vld [tilespmem:s13+$0x10];
	_ =	sdelay $0x4  }
0x63: {  	s15 =	sadd.s32 $0x1025, s11;
	[tilespmem:v3+s7+$0x0] =	vst.idx.msk $0xffff, v2  }
0x64: {  	v3 =	vadd.s32 s15, v0;
	v2 =	vld [tilespmem:s13+$0x20];
	_ =	sdelay $0x4  }
0x65: {  	s16 =	sadd.s32 $0x1835, s11;
	[tilespmem:v3+s7+$0x0] =	vst.idx.msk $0xffff, v2  }
0x66: {  	v3 =	vadd.s32 s16, v0;
	v2 =	vld [tilespmem:s13+$0x30];
	_ =	sdelay $0x4  }
0x67: {  	s17 =	sadd.s32 $0x2045, s11;
	[tilespmem:v3+s7+$0x0] =	vst.idx.msk $0xffff, v2  }
0x68: {  	v3 =	vadd.s32 s17, v0;
	v2 =	vld [tilespmem:s13+$0x40];
	_ =	sdelay $0x4  }
0x69: {  	s18 =	sadd.s32 $0x2855, s11;
	[tilespmem:v3+s7+$0x0] =	vst.idx.msk $0xffff, v2  }
0x6a: {  	v3 =	vadd.s32 s18, v0;
	v2 =	vld [tilespmem:s13+$0x50];
	_ =	sdelay $0x4  }
0x6b: {  	s19 =	sadd.s32 $0x2A59, s11;
	[tilespmem:v3+s7+$0x0] =	vst.idx.msk $0xffff, v2  }
0x6c: {  	v3 =	vadd.s32 s19, v0;
	v2 =	vld [tilespmem:s13+$0x54];
	_ =	sdelay $0x2  }
0x6d: {  	s20 =	sor.u32 $0x6, s11  }
0x6e: {  	s21 =	sshll.u32 s20, $0x7  }
0x6f: {  	s13 =	sand.u32 $0x3FFFFB00, s21;
	[tilespmem:v3+s7+$0x0] =	vst.idx.msk $0xffff, v2  }
0x70: {  	v3 =	vadd.s32 s20, v0;
	v2 =	vld [tilespmem:s13+$0x0];
	_ =	sdelay $0x4  }
0x71: {  	s22 =	sadd.s32 $0x816, s11;
	[tilespmem:v3+s7+$0x0] =	vst.idx.msk $0xffff, v2  }
0x72: {  	v3 =	vadd.s32 s22, v0;
	v2 =	vld [tilespmem:s13+$0x10];
	_ =	sdelay $0x4  }
0x73: {  	s23 =	sadd.s32 $0x1026, s11;
	[tilespmem:v3+s7+$0x0] =	vst.idx.msk $0xffff, v2  }
0x74: {  	v3 =	vadd.s32 s23, v0;
	v2 =	vld [tilespmem:s13+$0x20];
	_ =	sdelay $0x4  }
0x75: {  	s24 =	sadd.s32 $0x1836, s11;
	[tilespmem:v3+s7+$0x0] =	vst.idx.msk $0xffff, v2  }
0x76: {  	v3 =	vadd.s32 s24, v0;
	v2 =	vld [tilespmem:s13+$0x30];
	_ =	sdelay $0x4  }
0x77: {  	s25 =	sadd.s32 $0x2046, s11;
	[tilespmem:v3+s7+$0x0] =	vst.idx.msk $0xffff, v2  }
0x78: {  	v3 =	vadd.s32 s25, v0;
	v2 =	vld [tilespmem:s13+$0x40];
	_ =	sdelay $0x4  }
0x79: {  	s26 =	sadd.s32 $0x2856, s11;
	[tilespmem:v3+s7+$0x0] =	vst.idx.msk $0xffff, v2  }
0x7a: {  	v3 =	vadd.s32 s26, v0;
	v2 =	vld [tilespmem:s13+$0x50];
	_ =	sdelay $0x4  }
0x7b: {  	s28 =	sadd.s32 $0x2A5A, s11;
	[tilespmem:v3+s7+$0x0] =	vst.idx.msk $0xffff, v2  }
0x7c: {  	v3 =	vadd.s32 s28, v0;
	v2 =	vld [tilespmem:s13+$0x54];
	_ =	sdelay $0x2  }
0x7d: {  	s29 =	sor.u32 $0x7, s11  }
0x7e: {  	s30 =	sshll.u32 s29, $0x7  }
0x7f: {  	s13 =	sand.u32 $0x3FFFFB80, s30;
	[tilespmem:v3+s7+$0x0] =	vst.idx.msk $0xffff, v2  }
0x80: {  	v3 =	vadd.s32 s29, v0;
	v2 =	vld [tilespmem:s13+$0x0];
	_ =	sdelay $0x4  }
0x81: {  	s31 =	sadd.s32 $0x817, s11;
	[tilespmem:v3+s7+$0x0] =	vst.idx.msk $0xffff, v2  }
0x82: {  	v3 =	vadd.s32 s31, v0;
	v2 =	vld [tilespmem:s13+$0x10];
	_ =	sdelay $0x4  }
0x83: {  	s14 =	sadd.s32 $0x1027, s11;
	[tilespmem:v3+s7+$0x0] =	vst.idx.msk $0xffff, v2  }
0x84: {  	v3 =	vadd.s32 s14, v0;
	v2 =	vld [tilespmem:s13+$0x20];
	_ =	sdelay $0x4  }
0x85: {  	s15 =	sadd.s32 $0x1837, s11;
	[tilespmem:v3+s7+$0x0] =	vst.idx.msk $0xffff, v2  }
0x86: {  	v3 =	vadd.s32 s15, v0;
	v2 =	vld [tilespmem:s13+$0x30];
	_ =	sdelay $0x4  }
0x87: {  	s16 =	sadd.s32 $0x2047, s11;
	[tilespmem:v3+s7+$0x0] =	vst.idx.msk $0xffff, v2  }
0x88: {  	v3 =	vadd.s32 s16, v0;
	v2 =	vld [tilespmem:s13+$0x40];
	_ =	sdelay $0x4  }
0x89: {  	s17 =	sadd.s32 $0x2857, s11;
	[tilespmem:v3+s7+$0x0] =	vst.idx.msk $0xffff, v2  }
0x8a: {  	v3 =	vadd.s32 s17, v0;
	v2 =	vld [tilespmem:s13+$0x50];
	_ =	sdelay $0x4  }
0x8b: {  	s18 =	sadd.s32 $0x2A5B, s11;
	[tilespmem:v3+s7+$0x0] =	vst.idx.msk $0xffff, v2  }
0x8c: {  	v3 =	vadd.s32 s18, v0;
	v2 =	vld [tilespmem:s13+$0x54];
	_ =	sdelay $0x2  }
0x8d: {  	s19 =	sor.u32 $0x8, s11  }
0x8e: {  	s20 =	sshll.u32 s19, $0x7  }
0x8f: {  	s13 =	sand.u32 $0x3FFFFC00, s20;
	[tilespmem:v3+s7+$0x0] =	vst.idx.msk $0xffff, v2  }
0x90: {  	v3 =	vadd.s32 s19, v0;
	v2 =	vld [tilespmem:s13+$0x0];
	_ =	sdelay $0x4  }
0x91: {  	s21 =	sadd.s32 $0x818, s11;
	[tilespmem:v3+s7+$0x0] =	vst.idx.msk $0xffff, v2  }
0x92: {  	v3 =	vadd.s32 s21, v0;
	v2 =	vld [tilespmem:s13+$0x10];
	_ =	sdelay $0x4  }
0x93: {  	s22 =	sadd.s32 $0x1028, s11;
	[tilespmem:v3+s7+$0x0] =	vst.idx.msk $0xffff, v2  }
0x94: {  	v3 =	vadd.s32 s22, v0;
	v2 =	vld [tilespmem:s13+$0x20];
	_ =	sdelay $0x4  }
0x95: {  	s23 =	sadd.s32 $0x1838, s11;
	[tilespmem:v3+s7+$0x0] =	vst.idx.msk $0xffff, v2  }
0x96: {  	v3 =	vadd.s32 s23, v0;
	v2 =	vld [tilespmem:s13+$0x30];
	_ =	sdelay $0x4  }
0x97: {  	s24 =	sadd.s32 $0x2048, s11;
	[tilespmem:v3+s7+$0x0] =	vst.idx.msk $0xffff, v2  }
0x98: {  	v3 =	vadd.s32 s24, v0;
	v2 =	vld [tilespmem:s13+$0x40];
	_ =	sdelay $0x4  }
0x99: {  	s25 =	sadd.s32 $0x2858, s11;
	[tilespmem:v3+s7+$0x0] =	vst.idx.msk $0xffff, v2  }
0x9a: {  	v3 =	vadd.s32 s25, v0;
	v2 =	vld [tilespmem:s13+$0x50];
	_ =	sdelay $0x4  }
0x9b: {  	s26 =	sadd.s32 $0x2A5C, s11;
	[tilespmem:v3+s7+$0x0] =	vst.idx.msk $0xffff, v2  }
0x9c: {  	v3 =	vadd.s32 s26, v0;
	v2 =	vld [tilespmem:s13+$0x54];
	_ =	sdelay $0x2  }
0x9d: {  	s28 =	sor.u32 $0x9, s11  }
0x9e: {  	s29 =	sshll.u32 s28, $0x7  }
0x9f: {  	s13 =	sand.u32 $0x3FFFFC80, s29;
	[tilespmem:v3+s7+$0x0] =	vst.idx.msk $0xffff, v2  }
0xa0: {  	v3 =	vadd.s32 s28, v0;
	v2 =	vld [tilespmem:s13+$0x0];
	_ =	sdelay $0x4  }
0xa1: {  	s30 =	sadd.s32 $0x819, s11;
	[tilespmem:v3+s7+$0x0] =	vst.idx.msk $0xffff, v2  }
0xa2: {  	v3 =	vadd.s32 s30, v0;
	v2 =	vld [tilespmem:s13+$0x10];
	_ =	sdelay $0x4  }
0xa3: {  	s31 =	sadd.s32 $0x1029, s11;
	[tilespmem:v3+s7+$0x0] =	vst.idx.msk $0xffff, v2  }
0xa4: {  	v3 =	vadd.s32 s31, v0;
	v2 =	vld [tilespmem:s13+$0x20];
	_ =	sdelay $0x4  }
0xa5: {  	s14 =	sadd.s32 $0x1839, s11;
	[tilespmem:v3+s7+$0x0] =	vst.idx.msk $0xffff, v2  }
0xa6: {  	v3 =	vadd.s32 s14, v0;
	v2 =	vld [tilespmem:s13+$0x30];
	_ =	sdelay $0x4  }
0xa7: {  	s15 =	sadd.s32 $0x2049, s11;
	[tilespmem:v3+s7+$0x0] =	vst.idx.msk $0xffff, v2  }
0xa8: {  	v3 =	vadd.s32 s15, v0;
	v2 =	vld [tilespmem:s13+$0x40];
	_ =	sdelay $0x4  }
0xa9: {  	s16 =	sadd.s32 $0x2859, s11;
	[tilespmem:v3+s7+$0x0] =	vst.idx.msk $0xffff, v2  }
0xaa: {  	v3 =	vadd.s32 s16, v0;
	v2 =	vld [tilespmem:s13+$0x50];
	_ =	sdelay $0x4  }
0xab: {  	s17 =	sadd.s32 $0x2A5D, s11;
	[tilespmem:v3+s7+$0x0] =	vst.idx.msk $0xffff, v2  }
0xac: {  	v3 =	vadd.s32 s17, v0;
	v2 =	vld [tilespmem:s13+$0x54];
	_ =	sdelay $0x2  }
0xad: {  	s18 =	sor.u32 $0xA, s11  }
0xae: {  	s19 =	sshll.u32 s18, $0x7  }
0xaf: {  	s13 =	sand.u32 $0x3FFFFD00, s19;
	[tilespmem:v3+s7+$0x0] =	vst.idx.msk $0xffff, v2  }
0xb0: {  	v3 =	vadd.s32 s18, v0;
	v2 =	vld [tilespmem:s13+$0x0];
	_ =	sdelay $0x4  }
0xb1: {  	s20 =	sadd.s32 $0x81A, s11;
	[tilespmem:v3+s7+$0x0] =	vst.idx.msk $0xffff, v2  }
0xb2: {  	v3 =	vadd.s32 s20, v0;
	v2 =	vld [tilespmem:s13+$0x10];
	_ =	sdelay $0x4  }
0xb3: {  	s21 =	sadd.s32 $0x102A, s11;
	[tilespmem:v3+s7+$0x0] =	vst.idx.msk $0xffff, v2  }
0xb4: {  	v3 =	vadd.s32 s21, v0;
	v2 =	vld [tilespmem:s13+$0x20];
	_ =	sdelay $0x4  }
0xb5: {  	s22 =	sadd.s32 $0x183A, s11;
	[tilespmem:v3+s7+$0x0] =	vst.idx.msk $0xffff, v2  }
0xb6: {  	v3 =	vadd.s32 s22, v0;
	v2 =	vld [tilespmem:s13+$0x30];
	_ =	sdelay $0x4  }
0xb7: {  	s23 =	sadd.s32 $0x204A, s11;
	[tilespmem:v3+s7+$0x0] =	vst.idx.msk $0xffff, v2  }
0xb8: {  	v3 =	vadd.s32 s23, v0;
	v2 =	vld [tilespmem:s13+$0x40];
	_ =	sdelay $0x4  }
0xb9: {  	s24 =	sadd.s32 $0x285A, s11;
	[tilespmem:v3+s7+$0x0] =	vst.idx.msk $0xffff, v2  }
0xba: {  	v3 =	vadd.s32 s24, v0;
	v2 =	vld [tilespmem:s13+$0x50];
	_ =	sdelay $0x4  }
0xbb: {  	s25 =	sadd.s32 $0x2A5E, s11;
	[tilespmem:v3+s7+$0x0] =	vst.idx.msk $0xffff, v2  }
0xbc: {  	v3 =	vadd.s32 s25, v0;
	v2 =	vld [tilespmem:s13+$0x54];
	_ =	sdelay $0x2  }
0xbd: {  	s26 =	sor.u32 $0xB, s11  }
0xbe: {  	s28 =	sshll.u32 s26, $0x7  }
0xbf: {  	s13 =	sand.u32 $0x3FFFFD80, s28;
	[tilespmem:v3+s7+$0x0] =	vst.idx.msk $0xffff, v2  }
0xc0: {  	v3 =	vadd.s32 s26, v0;
	v2 =	vld [tilespmem:s13+$0x0];
	_ =	sdelay $0x4  }
0xc1: {  	s29 =	sadd.s32 $0x81B, s11;
	[tilespmem:v3+s7+$0x0] =	vst.idx.msk $0xffff, v2  }
0xc2: {  	v3 =	vadd.s32 s29, v0;
	v2 =	vld [tilespmem:s13+$0x10];
	_ =	sdelay $0x4  }
0xc3: {  	s30 =	sadd.s32 $0x102B, s11;
	[tilespmem:v3+s7+$0x0] =	vst.idx.msk $0xffff, v2  }
0xc4: {  	v3 =	vadd.s32 s30, v0;
	v2 =	vld [tilespmem:s13+$0x20];
	_ =	sdelay $0x4  }
0xc5: {  	s31 =	sadd.s32 $0x183B, s11;
	[tilespmem:v3+s7+$0x0] =	vst.idx.msk $0xffff, v2  }
0xc6: {  	v3 =	vadd.s32 s31, v0;
	v2 =	vld [tilespmem:s13+$0x30];
	_ =	sdelay $0x4  }
0xc7: {  	s14 =	sadd.s32 $0x204B, s11;
	[tilespmem:v3+s7+$0x0] =	vst.idx.msk $0xffff, v2  }
0xc8: {  	v3 =	vadd.s32 s14, v0;
	v2 =	vld [tilespmem:s13+$0x40];
	_ =	sdelay $0x4  }
0xc9: {  	s15 =	sadd.s32 $0x285B, s11;
	[tilespmem:v3+s7+$0x0] =	vst.idx.msk $0xffff, v2  }
0xca: {  	v3 =	vadd.s32 s15, v0;
	v2 =	vld [tilespmem:s13+$0x50];
	_ =	sdelay $0x4  }
0xcb: {  	s16 =	sadd.s32 $0x2A5F, s11;
	[tilespmem:v3+s7+$0x0] =	vst.idx.msk $0xffff, v2  }
0xcc: {  	v3 =	vadd.s32 s16, v0;
	v2 =	vld [tilespmem:s13+$0x54];
	_ =	sdelay $0x2  }
0xcd: {  	s17 =	sor.u32 $0xC, s11  }
0xce: {  	s18 =	sshll.u32 s17, $0x7  }
0xcf: {  	s13 =	sand.u32 $0x3FFFFE00, s18;
	[tilespmem:v3+s7+$0x0] =	vst.idx.msk $0xffff, v2  }
0xd0: {  	v3 =	vadd.s32 s17, v0;
	v2 =	vld [tilespmem:s13+$0x0];
	_ =	sdelay $0x4  }
0xd1: {  	s19 =	sadd.s32 $0x81C, s11;
	[tilespmem:v3+s7+$0x0] =	vst.idx.msk $0xffff, v2  }
0xd2: {  	v3 =	vadd.s32 s19, v0;
	v2 =	vld [tilespmem:s13+$0x10];
	_ =	sdelay $0x4  }
0xd3: {  	s20 =	sadd.s32 $0x102C, s11;
	[tilespmem:v3+s7+$0x0] =	vst.idx.msk $0xffff, v2  }
0xd4: {  	v3 =	vadd.s32 s20, v0;
	v2 =	vld [tilespmem:s13+$0x20];
	_ =	sdelay $0x4  }
0xd5: {  	s21 =	sadd.s32 $0x183C, s11;
	[tilespmem:v3+s7+$0x0] =	vst.idx.msk $0xffff, v2  }
0xd6: {  	v3 =	vadd.s32 s21, v0;
	v2 =	vld [tilespmem:s13+$0x30];
	_ =	sdelay $0x4  }
0xd7: {  	s22 =	sadd.s32 $0x204C, s11;
	[tilespmem:v3+s7+$0x0] =	vst.idx.msk $0xffff, v2  }
0xd8: {  	v3 =	vadd.s32 s22, v0;
	v2 =	vld [tilespmem:s13+$0x40];
	_ =	sdelay $0x4  }
0xd9: {  	s23 =	sadd.s32 $0x285C, s11;
	[tilespmem:v3+s7+$0x0] =	vst.idx.msk $0xffff, v2  }
0xda: {  	v3 =	vadd.s32 s23, v0;
	v2 =	vld [tilespmem:s13+$0x50];
	_ =	sdelay $0x4  }
0xdb: {  	s24 =	sadd.s32 $0x2A60, s11;
	[tilespmem:v3+s7+$0x0] =	vst.idx.msk $0xffff, v2  }
0xdc: {  	v3 =	vadd.s32 s24, v0;
	v2 =	vld [tilespmem:s13+$0x54];
	_ =	sdelay $0x2  }
0xdd: {  	s25 =	sor.u32 $0xD, s11  }
0xde: {  	s26 =	sshll.u32 s25, $0x7  }
0xdf: {  	s13 =	sand.u32 $0x3FFFFE80, s26;
	[tilespmem:v3+s7+$0x0] =	vst.idx.msk $0xffff, v2  }
0xe0: {  	v3 =	vadd.s32 s25, v0;
	v2 =	vld [tilespmem:s13+$0x0];
	_ =	sdelay $0x4  }
0xe1: {  	s28 =	sadd.s32 $0x81D, s11;
	[tilespmem:v3+s7+$0x0] =	vst.idx.msk $0xffff, v2  }
0xe2: {  	v3 =	vadd.s32 s28, v0;
	v2 =	vld [tilespmem:s13+$0x10];
	_ =	sdelay $0x4  }
0xe3: {  	s29 =	sadd.s32 $0x102D, s11;
	[tilespmem:v3+s7+$0x0] =	vst.idx.msk $0xffff, v2  }
0xe4: {  	v3 =	vadd.s32 s29, v0;
	v2 =	vld [tilespmem:s13+$0x20];
	_ =	sdelay $0x4  }
0xe5: {  	s30 =	sadd.s32 $0x183D, s11;
	[tilespmem:v3+s7+$0x0] =	vst.idx.msk $0xffff, v2  }
0xe6: {  	v3 =	vadd.s32 s30, v0;
	v2 =	vld [tilespmem:s13+$0x30];
	_ =	sdelay $0x4  }
0xe7: {  	s31 =	sadd.s32 $0x204D, s11;
	[tilespmem:v3+s7+$0x0] =	vst.idx.msk $0xffff, v2  }
0xe8: {  	v3 =	vadd.s32 s31, v0;
	v2 =	vld [tilespmem:s13+$0x40];
	_ =	sdelay $0x4  }
0xe9: {  	s14 =	sadd.s32 $0x285D, s11;
	[tilespmem:v3+s7+$0x0] =	vst.idx.msk $0xffff, v2  }
0xea: {  	v3 =	vadd.s32 s14, v0;
	v2 =	vld [tilespmem:s13+$0x50];
	_ =	sdelay $0x4  }
0xeb: {  	s15 =	sadd.s32 $0x2A61, s11;
	[tilespmem:v3+s7+$0x0] =	vst.idx.msk $0xffff, v2  }
0xec: {  	v3 =	vadd.s32 s15, v0;
	v2 =	vld [tilespmem:s13+$0x54];
	_ =	sdelay $0x2  }
0xed: {  	s16 =	sor.u32 $0xE, s11  }
0xee: {  	s17 =	sshll.u32 s16, $0x7  }
0xef: {  	s13 =	sand.u32 $0x3FFFFF00, s17;
	[tilespmem:v3+s7+$0x0] =	vst.idx.msk $0xffff, v2  }
0xf0: {  	v3 =	vadd.s32 s16, v0;
	v2 =	vld [tilespmem:s13+$0x0];
	_ =	sdelay $0x4  }
0xf1: {  	s18 =	sadd.s32 $0x81E, s11;
	[tilespmem:v3+s7+$0x0] =	vst.idx.msk $0xffff, v2  }
0xf2: {  	v3 =	vadd.s32 s18, v0;
	v2 =	vld [tilespmem:s13+$0x10];
	_ =	sdelay $0x4  }
0xf3: {  	s19 =	sadd.s32 $0x102E, s11;
	[tilespmem:v3+s7+$0x0] =	vst.idx.msk $0xffff, v2  }
0xf4: {  	v3 =	vadd.s32 s19, v0;
	v2 =	vld [tilespmem:s13+$0x20];
	_ =	sdelay $0x4  }
0xf5: {  	s20 =	sadd.s32 $0x183E, s11;
	[tilespmem:v3+s7+$0x0] =	vst.idx.msk $0xffff, v2  }
0xf6: {  	v3 =	vadd.s32 s20, v0;
	v2 =	vld [tilespmem:s13+$0x30];
	_ =	sdelay $0x4  }
0xf7: {  	s21 =	sadd.s32 $0x204E, s11;
	[tilespmem:v3+s7+$0x0] =	vst.idx.msk $0xffff, v2  }
0xf8: {  	v3 =	vadd.s32 s21, v0;
	v2 =	vld [tilespmem:s13+$0x40];
	_ =	sdelay $0x4  }
0xf9: {  	s22 =	sadd.s32 $0x285E, s11;
	[tilespmem:v3+s7+$0x0] =	vst.idx.msk $0xffff, v2  }
0xfa: {  	v3 =	vadd.s32 s22, v0;
	v2 =	vld [tilespmem:s13+$0x50];
	_ =	sdelay $0x4  }
0xfb: {  	s23 =	sadd.s32 $0x2A62, s11;
	[tilespmem:v3+s7+$0x0] =	vst.idx.msk $0xffff, v2  }
0xfc: {  	v3 =	vadd.s32 s23, v0;
	v2 =	vld [tilespmem:s13+$0x54];
	_ =	sdelay $0x2  }
0xfd: {  	s24 =	sshllo.u32 s10, $0x4  }
0xfe: {  	s25 =	sshll.u32 s24, $0x7  }
0xff: {  	s13 =	sand.u32 $0x3FFFFF80, s25;
	[tilespmem:v3+s7+$0x0] =	vst.idx.msk $0xffff, v2  }
0x100: {  	v3 =	vadd.s32 s24, v0;
	v2 =	vld [tilespmem:s13+$0x0];
	_ =	sdelay $0x4  }
0x101: {  	s26 =	sadd.s32 $0x81F, s11;
	[tilespmem:v3+s7+$0x0] =	vst.idx.msk $0xffff, v2  }
0x102: {  	v3 =	vadd.s32 s26, v0;
	v2 =	vld [tilespmem:s13+$0x10];
	_ =	sdelay $0x4  }
0x103: {  	s28 =	sadd.s32 $0x102F, s11;
	[tilespmem:v3+s7+$0x0] =	vst.idx.msk $0xffff, v2  }
0x104: {  	v3 =	vadd.s32 s28, v0;
	v2 =	vld [tilespmem:s13+$0x20];
	_ =	sdelay $0x4  }
0x105: {  	s29 =	sadd.s32 $0x183F, s11;
	[tilespmem:v3+s7+$0x0] =	vst.idx.msk $0xffff, v2  }
0x106: {  	v3 =	vadd.s32 s29, v0;
	v2 =	vld [tilespmem:s13+$0x30];
	_ =	sdelay $0x4  }
0x107: {  	s30 =	sadd.s32 $0x204F, s11;
	[tilespmem:v3+s7+$0x0] =	vst.idx.msk $0xffff, v2  }
0x108: {  	v3 =	vadd.s32 s30, v0;
	v2 =	vld [tilespmem:s13+$0x40];
	_ =	sdelay $0x4  }
0x109: {  	s31 =	sadd.s32 $0x285F, s11;
	[tilespmem:v3+s7+$0x0] =	vst.idx.msk $0xffff, v2  }
0x10a: {  	v3 =	vadd.s32 s31, v0;
	v2 =	vld [tilespmem:s13+$0x50];
	_ =	sdelay $0x4  }
0x10b: {  	s11 =	sadd.s32 $0x2A63, s11;
	[tilespmem:v3+s7+$0x0] =	vst.idx.msk $0xffff, v2  }
0x10c: {  	p0 =	sne.s32 s10, $0x7;
	v3 =	vadd.s32 s11, v0;
	v2 =	vld [tilespmem:s13+$0x54]  }
.Ltmp0:
0x10d: {  	_ = 	snop;
	(pc) =	sbr.rel @p0 .LBB2_2-.Ltmp0, $2  }
0x10e: {  	_ =	sdelay $0x2  }
0x10f: {  	s10 =	sadd.s32 $0x1, s10;
	[tilespmem:v3+s7+$0x0] =	vst.idx.msk $0xffff, v2  }
0x110: {  	s10 =	simm.s32 $0x0  }
.LBB2_4:
0x111: {  	s11 =	sshra.s32 s10, $0x2  }
0x112: {  	v10 =	vld [tilespmem:s11+$0x4200]  }
0x113: {  	v11 =	vld [tilespmem:s11+$0x4302]  }
0x114: {  	v5 =	vld [tilespmem:s11+$0x4404]  }
0x115: {  	v12 =	vld [tilespmem:s11+$0x4485]  }
0x116: {  	v13 =	vld [tilespmem:s11+$0x4506]  }
0x117: {  	v14 =	vld [tilespmem:s11+$0x4587]  }
0x118: {  	v15 =	vld [tilespmem:s11+$0x4689]  }
0x119: {  	v3 =	vld [tilespmem:s11+$0x478B]  }
0x11a: {  	v16 =	vld [tilespmem:s11+$0x480C]  }
0x11b: {  	v17 =	vld [tilespmem:s11+$0x488D]  }
0x11c: {  	v9 =	vld [tilespmem:s11+$0x490E]  }
0x11d: {  	v18 =	vld [tilespmem:s11+$0x4A10]  }
0x11e: {  	v19 =	vld [tilespmem:s11+$0x4B12]  }
0x11f: {  	v20 =	vld [tilespmem:s11+$0x4B93]  }
0x120: {  	v6 =	vld [tilespmem:s11+$0x4C14]  }
0x121: {  	v4 =	vld [tilespmem:s11+$0x4C95]  }
0x122: {  	v21 =	vld [tilespmem:s11+$0x4D97]  }
0x123: {  	v22 =	vld [tilespmem:s11+$0x4E99]  }
0x124: {  	v23 =	vld [tilespmem:s11+$0x4F1A]  }
0x125: {  	v2 =	vld [tilespmem:s11+$0x4F9B]  }
0x126: {  	v7 =	vld [tilespmem:s11+$0x501C]  }
0x127: {  	v24 =	vld [tilespmem:s11+$0x509D]  }
0x128: {  	v25 =	vld [tilespmem:s11+$0x511E]  }
0x129: {  	v26 =	vld [tilespmem:s11+$0x5220]  }
0x12a: {  	v27 =	vld [tilespmem:s11+$0x52A1]  }
0x12b: {  	v28 =	vld [tilespmem:s11+$0x5322]  }
0x12c: {  	v29 =	vld [tilespmem:s11+$0x53A3]  }
0x12d: {  	v30 =	vld [tilespmem:s11+$0x5424]  }
0x12e: {  	v31 =	vld [tilespmem:s11+$0x54A5]  }
0x12f: {  	v32 =	vld [tilespmem:s11+$0x55A7]  }
0x130: {  	v33 =	vld [tilespmem:s11+$0x56A9]  }
0x131: {  	v34 =	vld [tilespmem:s11+$0x572A]  }
0x132: {  	v35 =	vld [tilespmem:s11+$0x57AB]  }
0x133: {  	v36 =	vld [tilespmem:s11+$0x582C]  }
0x134: {  	v37 =	vld [tilespmem:s11+$0x592E]  }
0x135: {  	v38 =	vld [tilespmem:s11+$0x59AF]  }
0x136: {  	v39 =	vld [tilespmem:s11+$0x5A30]  }
0x137: {  	v40 =	vld [tilespmem:s11+$0x5AB1]  }
0x138: {  	v41 =	vld [tilespmem:s11+$0x5B32]  }
0x139: {  	v42 =	vld [tilespmem:s11+$0x5BB3]  }
0x13a: {  	v43 =	vld [tilespmem:s11+$0x5CB5]  }
0x13b: {  	v44 =	vld [tilespmem:s11+$0x5E38]  }
0x13c: {  	v45 =	vld [tilespmem:s11+$0x5EB9]  }
0x13d: {  	v46 =	vld [tilespmem:s11+$0x603C]  }
0x13e: {  	v47 =	vld [tilespmem:s11+$0x61BF]  }
0x13f: {  	v48 =	vld [tilespmem:s11+$0x6240]  }
0x140: {  	v49 =	vld [tilespmem:s11+$0x6546]  }
0x141: {  	v50 =	vld [tilespmem:s11+$0x65C7]  }
0x142: {  	v51 =	vld [tilespmem:s11+$0x68CD]  }
0x143: {  	v52 =	vld [tilespmem:s11+$0x694E]  }
0x144: {  	v53 =	vld [tilespmem:s11+$0x71DF]  }
0x145: {  	v56 =	vld [tilespmem:s11+$0x6C54]  }
0x146: {  	v54 =	vld [tilespmem:s11+$0x6CD5]  }
0x147: {  	v55 =	vld [tilespmem:s11+$0x705C];
	v24 =	vand.u32 v24, v10  }
0x148: {  	v60 =	vld [tilespmem:s11+$0x73E3];
	v30 =	vand.u32 v30, v14;
	v34 =	vand.u32 v50, v34;
	v29 =	vand.u32 v48, v29  }
0x149: {  	v61 =	vld [tilespmem:s11+$0x6FDB];
	v11 =	vand.u32 v11, v40;
	v15 =	vand.u32 v15, v44;
	v18 =	vand.u32 v18, v47  }
0x14a: {  	v62 =	vld [tilespmem:s11+$0x5F3A];
	v21 =	vand.u32 v21, v49;
	v13 =	vand.u32 v13, v25;
	v48 =	vand.u32 v56, v31  }
0x14b: {  	v63 =	vld [tilespmem:s11+$0x62C1];
	v12 =	vand.u32 v12, v19;
	v16 =	vand.u32 v16, v22;
	v57 =	vand.u32 v45, v7  }
0x14c: {  	v58 =	vld [tilespmem:s11+$0x674A];
	v20 =	vand.u32 v20, v26;
	v23 =	vand.u32 v23, v32;
	v10 =	vand.u32 v10, v38  }
0x14d: {  	v59 =	vld [tilespmem:s11+$0x684C];
	v27 =	vand.u32 v27, v37;
	v3 =	vand.u32 v42, v3;
	v24 =	vand.u32 v17, v24  }
0x14e: {  	v49 =	vld [tilespmem:s11+$0x5D36];
	v30 =	vand.u32 v6, v30;
	v11 =	vand.u32 v52, v11;
	v15 =	vand.u32 v54, v15  }
0x14f: {  	v56 =	vld [tilespmem:s11+$0x5DB7];
	v18 =	vand.u32 v55, v18;
	v24 =	vand.u32 v43, v24;
	v30 =	vand.u32 v46, v30  }
0x150: {  	v21 =	vand.u32 v60, v21;
	v24 =	vor.u32 v24, v30;
	v30 =	vand.u32 v53, v34;
	v53 =	vld [tilespmem:s11+$0x63C3]  }
0x151: {  	v37 =	vld [tilespmem:s11+$0x6BD3];
	v13 =	vand.u32 v51, v13;
	v17 =	vand.u32 v17, v48;
	v54 =	vand.u32 v41, v4  }
0x152: {  	v52 =	vld [tilespmem:s11+$0x6648];
	v12 =	vand.u32 v62, v12;
	v16 =	vand.u32 v63, v16;
	v40 =	vand.u32 v33, v57  }
0x153: {  	v38 =	vld [tilespmem:s11+$0x6E58];
	v60 =	vand.u32 v35, v9;
	v29 =	vand.u32 v39, v29;
	v10 =	vand.u32 v46, v10  }
0x154: {  	v55 =	vld [tilespmem:s11+$0x69CF];
	v12 =	vand.u32 v28, v12;
	v16 =	vand.u32 v33, v16;
	v33 =	vand.u32 v2, v60  }
0x155: {  	v34 =	vand.u32 v61, v36;
	v61 =	vld [tilespmem:s11+$0x6AD1];
	v12 =	vor.u32 v12, v24;
	v63 =	vand.u32 v53, v33  }
0x156: {  	v18 =	vand.u32 v59, v18;
	v36 =	vand.u32 v28, v54;
	v33 =	vld [tilespmem:s11+$0x613E];
	v12 =	vor.u32 v63, v12  }
0x157: {  	v44 =	vld [tilespmem:s11+$0x67CB];
	v36 =	vand.u32 v58, v36;
	v20 =	vand.u32 v52, v20;
	v12 =	vor.u32 v16, v12  }
0x158: {  	v62 =	vld [tilespmem:s11+$0x6D56];
	v10 =	vand.u32 v59, v10;
	v20 =	vand.u32 v39, v20;
	v12 =	vor.u32 v36, v12  }
0x159: {  	v35 =	vld [tilespmem:s11+$0x60BD];
	v50 =	vand.u32 v5, v34;
	v14 =	vand.u32 v14, v49;
	v12 =	vor.u32 v20, v12  }
0x15a: {  	v48 =	vand.u32 v38, v29;
	v39 =	vld [tilespmem:s11+$0x64C5];
	v41 =	vand.u32 v61, v40;
	v10 =	vor.u32 v10, v12  }
0x15b: {  	v8 =	vld [tilespmem:s11+$0x5628];
	v22 =	vand.u32 v55, v23;
	v11 =	vand.u32 v33, v11;
	v10 =	vor.u32 v41, v10  }
0x15c: {  	v45 =	vld [tilespmem:s11+$0x6F5A];
	v22 =	vand.u32 v56, v22;
	v14 =	vand.u32 v53, v14;
	v10 =	vor.u32 v11, v10  }
0x15d: {  	v47 =	vld [tilespmem:s11+$0x7362];
	v5 =	vand.u32 v44, v5;
	v14 =	vand.u32 v37, v14;
	v10 =	vor.u32 v22, v10  }
0x15e: {  	v46 =	vld [tilespmem:s11+$0x6444];
	v23 =	vand.u32 v62, v27;
	v9 =	vand.u32 v9, v35;
	v10 =	vor.u32 v14, v10  }
0x15f: {  	v49 =	vld [tilespmem:s11+$0x70DD];
	v9 =	vand.u32 v58, v9;
	v15 =	vand.u32 v39, v15;
	v10 =	vor.u32 v48, v10  }
0x160: {  	v9 =	vor.u32 v9, v13;
	v23 =	vand.u32 v33, v23;
	v10 =	vor.u32 v15, v10  }
0x161: {  	v5 =	vand.u32 v7, v5;
	v9 =	vand.u32 v45, v9;
	v51 =	vor.u32 v23, v10  }
0x162: {  	v30 =	vand.u32 v56, v30;
	v52 =	vld [tilespmem:s11+$0x72E1];
	v5 =	vand.u32 v38, v5;
	v7 =	vor.u32 v9, v51  }
0x163: {  	v6 =	vand.u32 v6, v50;
	v3 =	vand.u32 v47, v3;
	v5 =	vor.u32 v5, v7  }
0x164: {  	v4 =	vand.u32 v4, v46;
	v53 =	vand.u32 v49, v8;
	v5 =	vor.u32 v6, v5  }
0x165: {  	v4 =	vand.u32 v61, v4;
	v54 =	vand.u32 v43, v53;
	v5 =	vor.u32 v18, v5  }
0x166: {  	v4 =	vor.u32 v4, v17;
	v6 =	vand.u32 v39, v54;
	v5 =	vor.u32 v30, v5  }
0x167: {  	s29 =	sadd.s32 $0x1, s10;
	v55 =	vor.u32 s10, v1;
	v4 =	vand.u32 v52, v4;
	v5 =	vor.u32 v6, v5  }
0x168: {  	s30 =	sadd.s32 $0x2, s10;
	v2 =	vand.u32 v2, v3;
	v56 =	vor.u32 s29, v1;
	v3 =	vor.u32 v4, v5  }
0x169: {  	s31 =	sadd.s32 $0x3, s10;
	v57 =	vand.u32 v37, v21;
	v2 =	vor.u32 v2, v3;
	v3 =	vor.u32 s30, v1  }
0x16a: {  	p0 =	sne.s32 s10, $0x1C0;
	v58 =	vor.u32 s31, v1;
	v2 =	vor.u32 v57, v2  }
.Ltmp1:
0x16b: {  	v59 =	vand.u32 $0x1, v2;
	v60 =	vshrl.u32 v2, $0x8;
	(pc) =	sbr.rel @p0 .LBB2_4-.Ltmp1, $4  }
0x16c: {  	v62 =	vshrl.u32 v2, $0x10;
	[tilespmem:v55+s8+$0x0] =	vst.idx.msk $0xffff, v59;
	v61 =	vand.u32 $0x1, v60  }
0x16d: {  	v2 =	vshrl.u32 v2, $0x18;
	v63 =	vand.u32 $0x1, v62;
	[tilespmem:v56+s8+$0x0] =	vst.idx.msk $0xffff, v61  }
0x16e: {  	v2 =	vand.u32 $0x1, v2;
	[tilespmem:v3+s8+$0x0] =	vst.idx.msk $0xffff, v63  }
0x16f: {  	s10 =	sadd.s32 $0x40, s10;
	[tilespmem:v58+s8+$0x0] =	vst.idx.msk $0xffff, v2  }
0x170: {  	s9 =	sadd.s32 $0x1, s9  }
0x171: {  	p0 =	sne.s32 s9, s5  }
.Ltmp2:
0x172: {  	_ = 	snop;
	(pc) =	sbr.rel @p0 .LBB2_1-.Ltmp2, $4  }
0x173: {  	[hbm4b:s4+s2] =	stream.linear.scatter [tilespmem:s8], [sflag:$0x1], $0x200, $0x38;
	[tilespmem:$0x7480] =	vst v63  }
0x174: {  	_ =	swait.ge [sflag:s6], $0x200  }
0x175: {  	[sflag:s6] =	ssyncset.done $0x0  }
0x176: {  	[sflag:s6] =	ssyncadd.s32 $0xFFFFFE00  }
0x177: {  	_ =	sfence.sel $0x180000  }
0x178: {  	[bflag:$0x0] =	sbarrier.arrive $0xFFFF  }
0x179: {  	p0 =	sne.s32 s1, $0x0;
	_ =	strace $0x90000047  }
0x17a: {  	s0 =	sadd.s32 @!p0 $0x100000, s0;
	[bflag:$0x2] =	sbarrier.arrive $0xFFFF  }
0x17b: {  	[sflag:s0] =	ssyncadd.tile.s32 @!p0 $0x1;
	_ =	shalt  }
.Lfunc_end2:
_tile_overlayer_lowered:
.L_overlay_start_2:
0x17c: {  	(tag) =	ssettag $0x2  }
0x17d: {  	s0 =	rddreg [dreg:$0x0];
	s2 =	stileid.u32  }
0x17e: {  	s1 =	rddreg [dreg:$0x1];
	p0 =	sne.s32 s2, $0x0  }
0x17f: {  	s3 =	rddreg [dreg:$0x2];
	[bflag:$0x3] =	sbarrier.arrive $0xFFFF;
	s2 =	simm.s32 @!p0 $0x1C01  }
0x180: {  	[timem:s3], [sflag:s2] =	dma.local @!p0 [hbm:s0], s1  }
0x181: {  	s0 =	simm.s32 @!p0 $0x1  }
0x182: {  	_ =	swait.ge @!p0 [sflag:s0], s1  }
0x183: {  	s1 =	ssub.s32 @!p0 $0x0, s1;
	[sflag:s0] =	ssyncset.done @!p0 $0x0  }
0x184: {  	[sflag:s0] =	ssyncadd.s32 @!p0 s1  }
0x185: {  	[bflag:$0x3] =	sbarrier.arrive $0xFFFF  }
0x186: {  	_ =	shalt  }

</sc_bundles>
